<compile_context>
chip_gen: v7x
topology: tpu7x:2x2x1
jax: 0.10.2.dev20260603
libtpu: 0.0.44.dev20260713+nightly
codegen_flags: <defaults>
</compile_context>

<pallas_src>
import functools

import jax
import jax.numpy as jnp
from jax import lax
from jax.experimental import pallas as pl
from jax.experimental.pallas import tpu as pltpu
from jax.experimental.pallas import tpu_sc as plsc

NB = 4
CHUNK = 400


def _make_gather(N, V, D, NC, NS):
    NW = NC * NS
    per_w = N // NW
    assert per_w % CHUNK == 0 and (per_w // CHUNK) % NB == 0
    T = per_w // CHUNK
    ngroups = T // NB

    mesh = plsc.VectorSubcoreMesh(core_axis_name="c", subcore_axis_name="s")

    @functools.partial(
        pl.kernel,
        mesh=mesh,
        out_type=jax.ShapeDtypeStruct((N, 2 * D), jnp.float32),
        scratch_types=[
            pltpu.VMEM((NB, CHUNK), jnp.int32),
            pltpu.VMEM((NB, CHUNK, D), jnp.float32),
            pltpu.SemaphoreType.DMA((NB,)),
            pltpu.SemaphoreType.DMA((NB,)),
            pltpu.SemaphoreType.DMA((NB,)),
        ],
        compiler_params=pltpu.CompilerParams(use_tc_tiling_on_sc=False),
    )
    def gather(ids_hbm, table_hbm, out_hbm, idx_v, rows_v, s_idx, s_gth, s_out):
        wid = lax.axis_index("s") * NC + lax.axis_index("c")
        base = wid * per_w

        def cp_idx(g, b):
            off = base + g * CHUNK
            return pltpu.make_async_copy(
                ids_hbm.at[pl.ds(off, CHUNK)], idx_v.at[b], s_idx.at[b])

        def cp_gth(b):
            return pltpu.make_async_copy(
                table_hbm.at[idx_v.at[b]], rows_v.at[b], s_gth.at[b])

        def cp_out(g, b):
            off = base + g * CHUNK
            return pltpu.make_async_copy(
                rows_v.at[b],
                out_hbm.at[pl.ds(off, CHUNK), pl.ds(0, D)], s_out.at[b])

        def body(g, b, do_next, do_out_wait, do_prefetch):
            bn = (b + 1) % NB
            bp = (b + 2) % NB
            if do_next:
                cp_idx(g + 1, bn).wait()
                if do_out_wait:
                    cp_out(g + 1 - NB, bn).wait()
                cp_gth(bn).start()
            cp_gth(b).wait()
            cp_out(g, b).start()
            if do_prefetch:
                cp_idx(g + 2, bp).start()

        cp_idx(0, 0).start()
        cp_idx(1, 1).start()
        cp_idx(0, 0).wait()
        cp_gth(0).start()

        for b in range(NB):
            body(b, b, True, b + 1 >= NB, True)

        @pl.loop(1, ngroups - 1)
        def _(t):
            gbase = t * NB
            for b in range(NB):
                body(gbase + b, b, True, True, True)

        gl = (ngroups - 1) * NB
        for b in range(NB):
            g = gl + b
            body(g, b, g + 1 < T, True, g + 2 < T)

        for b in range(NB):
            cp_out(gl + b, b).wait()

    return gather


def kernel(doctor_ids, embedding_table):
    B, H = doctor_ids.shape
    V, D = embedding_table.shape
    N = B * H
    flat_idx = doctor_ids.reshape(N).astype(jnp.int32)
    info = plsc.get_sparse_core_info()
    gather = _make_gather(N, V, D, info.num_cores, info.num_subcores)
    out = gather(flat_idx, embedding_table)
    return out[:, :D].reshape(B, H, D)

# --- scband reference (transcript-rebuilt; emitter-appended) ---
"""Pipeline reference for scband-doctor-encoder-68264210202635 (READ-ONLY COPY).

The authoritative reference and input builder live on the scoring server;
editing this copy changes nothing except your own understanding.
"""

import jax, jax.numpy as jnp
import numpy as np

NUM_DOCTORS = 1000000
N_EMBD = 64
BATCH = 16384
HIST = 200

def setup_inputs(seed: int = 0) -> dict:
    key = jax.random.key(seed)
    k_idx, k_tab = jax.random.split(key)
    doctor_ids = jax.random.randint(k_idx, (BATCH, HIST), 0, NUM_DOCTORS, dtype=jnp.int64 if jax.config.read('jax_enable_x64') else jnp.int32)
    embedding_table = jax.random.normal(k_tab, (NUM_DOCTORS, N_EMBD), dtype=jnp.float32)
    return {"doctor_ids": doctor_ids, "embedding_table": embedding_table}

def reference(doctor_ids, embedding_table):
    # nn.Embedding forward: gather rows of the table by index
    hidden_states = jnp.take(embedding_table, doctor_ids, axis=0)
    return hidden_states

if __name__ == "__main__":
    import jax
    _d = setup_inputs()
    print(jax.jit(kernel)(*tuple(_d.values())))

</pallas_src>

<mosaic_0001>
#map = affine_map<(d0, d1) -> (0)>
#map1 = affine_map<(d0, d1) -> (0, 0)>
module attributes {stable_mosaic.version = 14 : i64} {
  func.func @gather(%arg0: i32, %arg1: i32, %arg2: memref<3276800xi32, #tpu.memory_space<hbm>>, %arg3: memref<1000000x64xf32, #tpu.memory_space<hbm>>, %arg4: memref<3276800x128xf32, #tpu.memory_space<hbm>>, %arg5: memref<4x400xi32, #tpu.memory_space<vmem>>, %arg6: memref<4x400x64xf32, #tpu.memory_space<vmem>>, %arg7: memref<4x!tpu.dma_semaphore, #tpu.memory_space<semaphore_mem>>, %arg8: memref<4x!tpu.dma_semaphore, #tpu.memory_space<semaphore_mem>>, %arg9: memref<4x!tpu.dma_semaphore, #tpu.memory_space<semaphore_mem>>) attributes {dimension_semantics = [#tpu.dimension_semantics<core_parallel>, #tpu.dimension_semantics<subcore_parallel>], iteration_bounds = array<i64: 2, 16>, scalar_prefetch = 0 : i64, scratch_operands = 5 : i64, tpu.core_type = #tpu.core_type<sc_vector_subcore>, window_params = [{transform_indices = #map}, {transform_indices = #map1}, {transform_indices = #map1}]} {
    %mul3A = arith.constant 2 : i32
    %mul3A_0 = arith.muli %arg1, %mul3A : i32
    %add3A = arith.addi %mul3A_0, %arg0 : i32
    %mul3A_1 = arith.constant 102400 : i32
    %mul3A_2 = arith.muli %add3A, %mul3A_1 : i32
    %add3A_3 = arith.constant 0 : i32
    %add3A_4 = arith.addi %mul3A_2, %add3A_3 : i32
    %dma_start3A = arith.constant 0 : i32
    %dma_start3A_5 = arith.constant 0 : i32
    %dma_start3A_6 = arith.constant 0 : i32
    %dma_start3A_7 = tpu.memref_slice %arg5[%dma_start3A, %dma_start3A_6] : memref<4x400xi32, #tpu.memory_space<vmem>> -> memref<1x400xi32, #tpu.memory_space<vmem>>
    %dma_start3A_8 = tpu.memref_squeeze %dma_start3A_7 : memref<1x400xi32, #tpu.memory_space<vmem>> -> memref<400xi32, #tpu.memory_space<vmem>>
    %dma_start3A_9 = tpu.memref_slice %arg2[%add3A_4] : memref<3276800xi32, #tpu.memory_space<hbm>> -> memref<400xi32, #tpu.memory_space<hbm>>
    %dma_start3A_10 = tpu.memref_slice %arg7[%dma_start3A_5] : memref<4x!tpu.dma_semaphore, #tpu.memory_space<semaphore_mem>> -> memref<1x!tpu.dma_semaphore, #tpu.memory_space<semaphore_mem>>
    %dma_start3A_11 = tpu.memref_squeeze %dma_start3A_10 : memref<1x!tpu.dma_semaphore, #tpu.memory_space<semaphore_mem>> -> memref<!tpu.dma_semaphore, #tpu.memory_space<semaphore_mem>>
    %dma_start3A_12 = arith.constant 0 : i32
    %dma_start3A_13 = tpu.memref_slice %arg5[%dma_start3A, %dma_start3A_12] : memref<4x400xi32, #tpu.memory_space<vmem>> -> memref<1x400xi32, #tpu.memory_space<vmem>>
    %dma_start3A_14 = tpu.memref_squeeze %dma_start3A_13 : memref<1x400xi32, #tpu.memory_space<vmem>> -> memref<400xi32, #tpu.memory_space<vmem>>
    %dma_start3A_15 = tpu.memref_slice %arg2[%add3A_4] : memref<3276800xi32, #tpu.memory_space<hbm>> -> memref<400xi32, #tpu.memory_space<hbm>>
    tpu.enqueue_dma source(%dma_start3A_15 : memref<400xi32, #tpu.memory_space<hbm>>) target(%dma_start3A_14 : memref<400xi32, #tpu.memory_space<vmem>>) target_semaphore(%dma_start3A_11 : memref<!tpu.dma_semaphore, #tpu.memory_space<semaphore_mem>>)
    %add3A_16 = arith.constant 400 : i32
    %add3A_17 = arith.addi %mul3A_2, %add3A_16 : i32
    %dma_start3A_18 = arith.constant 1 : i32
    %dma_start3A_19 = arith.constant 1 : i32
    %dma_start3A_20 = arith.constant 0 : i32
    %dma_start3A_21 = tpu.memref_slice %arg5[%dma_start3A_18, %dma_start3A_20] : memref<4x400xi32, #tpu.memory_space<vmem>> -> memref<1x400xi32, #tpu.memory_space<vmem>>
    %dma_start3A_22 = tpu.memref_squeeze %dma_start3A_21 : memref<1x400xi32, #tpu.memory_space<vmem>> -> memref<400xi32, #tpu.memory_space<vmem>>
    %dma_start3A_23 = tpu.memref_slice %arg2[%add3A_17] : memref<3276800xi32, #tpu.memory_space<hbm>> -> memref<400xi32, #tpu.memory_space<hbm>>
    %dma_start3A_24 = tpu.memref_slice %arg7[%dma_start3A_19] : memref<4x!tpu.dma_semaphore, #tpu.memory_space<semaphore_mem>> -> memref<1x!tpu.dma_semaphore, #tpu.memory_space<semaphore_mem>>
    %dma_start3A_25 = tpu.memref_squeeze %dma_start3A_24 : memref<1x!tpu.dma_semaphore, #tpu.memory_space<semaphore_mem>> -> memref<!tpu.dma_semaphore, #tpu.memory_space<semaphore_mem>>
    %dma_start3A_26 = arith.constant 0 : i32
    %dma_start3A_27 = tpu.memref_slice %arg5[%dma_start3A_18, %dma_start3A_26] : memref<4x400xi32, #tpu.memory_space<vmem>> -> memref<1x400xi32, #tpu.memory_space<vmem>>
    %dma_start3A_28 = tpu.memref_squeeze %dma_start3A_27 : memref<1x400xi32, #tpu.memory_space<vmem>> -> memref<400xi32, #tpu.memory_space<vmem>>
    %dma_start3A_29 = tpu.memref_slice %arg2[%add3A_17] : memref<3276800xi32, #tpu.memory_space<hbm>> -> memref<400xi32, #tpu.memory_space<hbm>>
    tpu.enqueue_dma source(%dma_start3A_29 : memref<400xi32, #tpu.memory_space<hbm>>) target(%dma_start3A_28 : memref<400xi32, #tpu.memory_space<vmem>>) target_semaphore(%dma_start3A_25 : memref<!tpu.dma_semaphore, #tpu.memory_space<semaphore_mem>>)
    %add3A_30 = arith.constant 0 : i32
    %add3A_31 = arith.addi %mul3A_2, %add3A_30 : i32
    %dma_wait3A = arith.constant 0 : i32
    %dma_wait3A_32 = arith.constant 0 : i32
    %dma_wait3A_33 = arith.constant 0 : i32
    %dma_wait3A_34 = tpu.memref_slice %arg5[%dma_wait3A, %dma_wait3A_33] : memref<4x400xi32, #tpu.memory_space<vmem>> -> memref<1x400xi32, #tpu.memory_space<vmem>>
    %dma_wait3A_35 = tpu.memref_squeeze %dma_wait3A_34 : memref<1x400xi32, #tpu.memory_space<vmem>> -> memref<400xi32, #tpu.memory_space<vmem>>
    %dma_wait3A_36 = tpu.memref_slice %arg2[%add3A_31] : memref<3276800xi32, #tpu.memory_space<hbm>> -> memref<400xi32, #tpu.memory_space<hbm>>
    %dma_wait3A_37 = tpu.memref_slice %arg7[%dma_wait3A_32] : memref<4x!tpu.dma_semaphore, #tpu.memory_space<semaphore_mem>> -> memref<1x!tpu.dma_semaphore, #tpu.memory_space<semaphore_mem>>
    %dma_wait3A_38 = tpu.memref_squeeze %dma_wait3A_37 : memref<1x!tpu.dma_semaphore, #tpu.memory_space<semaphore_mem>> -> memref<!tpu.dma_semaphore, #tpu.memory_space<semaphore_mem>>
    %dma_wait3A_39 = arith.constant 0 : i32
    %dma_wait3A_40 = tpu.memref_slice %arg5[%dma_wait3A, %dma_wait3A_39] : memref<4x400xi32, #tpu.memory_space<vmem>> -> memref<1x400xi32, #tpu.memory_space<vmem>>
    %dma_wait3A_41 = tpu.memref_squeeze %dma_wait3A_40 : memref<1x400xi32, #tpu.memory_space<vmem>> -> memref<400xi32, #tpu.memory_space<vmem>>
    %dma_wait3A_42 = tpu.memref_slice %arg2[%add3A_31] : memref<3276800xi32, #tpu.memory_space<hbm>> -> memref<400xi32, #tpu.memory_space<hbm>>
    tpu.wait_dma2 semaphore(%dma_wait3A_38 : memref<!tpu.dma_semaphore, #tpu.memory_space<semaphore_mem>>) src(%dma_wait3A_42 : memref<400xi32, #tpu.memory_space<hbm>>) dst(%dma_wait3A_41 : memref<400xi32, #tpu.memory_space<vmem>>)
    %dma_start3A_43 = arith.constant 0 : i32
    %dma_start3A_44 = arith.constant 0 : i32
    %dma_start3A_45 = arith.constant 0 : i32
    %dma_start3A_46 = arith.constant 0 : i32
    %dma_start3A_47 = arith.constant 0 : i32
    %dma_start3A_48 = tpu.memref_slice %arg6[%dma_start3A_44, %dma_start3A_46, %dma_start3A_47] : memref<4x400x64xf32, #tpu.memory_space<vmem>> -> memref<1x400x64xf32, #tpu.memory_space<vmem>>
    %dma_start3A_49 = tpu.memref_squeeze %dma_start3A_48 : memref<1x400x64xf32, #tpu.memory_space<vmem>> -> memref<400x64xf32, #tpu.memory_space<vmem>>
    %dma_start3A_50 = arith.constant 0 : i32
    %dma_start3A_51 = tpu.memref_slice %arg5[%dma_start3A_43, %dma_start3A_50] : memref<4x400xi32, #tpu.memory_space<vmem>> -> memref<1x400xi32, #tpu.memory_space<vmem>>
    %dma_start3A_52 = tpu.memref_squeeze %dma_start3A_51 : memref<1x400xi32, #tpu.memory_space<vmem>> -> memref<400xi32, #tpu.memory_space<vmem>>
    %dma_start3A_53 = arith.constant 0 : i32
    %dma_start3A_54 = arith.constant 0 : i32
    %dma_start3A_55 = tpu.memref_slice %arg3[%dma_start3A_53, %dma_start3A_54] : memref<1000000x64xf32, #tpu.memory_space<hbm>> -> memref<1000000x64xf32, #tpu.memory_space<hbm>>
    %dma_start3A_56 = tpu.memref_slice %arg8[%dma_start3A_45] : memref<4x!tpu.dma_semaphore, #tpu.memory_space<semaphore_mem>> -> memref<1x!tpu.dma_semaphore, #tpu.memory_space<semaphore_mem>>
    %dma_start3A_57 = tpu.memref_squeeze %dma_start3A_56 : memref<1x!tpu.dma_semaphore, #tpu.memory_space<semaphore_mem>> -> memref<!tpu.dma_semaphore, #tpu.memory_space<semaphore_mem>>
    tpu.enqueue_indirect_dma source(%dma_start3A_55 : memref<1000000x64xf32, #tpu.memory_space<hbm>>) target(%dma_start3A_49 : memref<400x64xf32, #tpu.memory_space<vmem>>) offsets(%dma_start3A_52 : memref<400xi32, #tpu.memory_space<vmem>>) semaphore(%dma_start3A_57 : memref<!tpu.dma_semaphore, #tpu.memory_space<semaphore_mem>>)
    %add3A_58 = arith.constant 400 : i32
    %add3A_59 = arith.addi %mul3A_2, %add3A_58 : i32
    %dma_wait3A_60 = arith.constant 1 : i32
    %dma_wait3A_61 = arith.constant 1 : i32
    %dma_wait3A_62 = arith.constant 0 : i32
    %dma_wait3A_63 = tpu.memref_slice %arg5[%dma_wait3A_60, %dma_wait3A_62] : memref<4x400xi32, #tpu.memory_space<vmem>> -> memref<1x400xi32, #tpu.memory_space<vmem>>
    %dma_wait3A_64 = tpu.memref_squeeze %dma_wait3A_63 : memref<1x400xi32, #tpu.memory_space<vmem>> -> memref<400xi32, #tpu.memory_space<vmem>>
    %dma_wait3A_65 = tpu.memref_slice %arg2[%add3A_59] : memref<3276800xi32, #tpu.memory_space<hbm>> -> memref<400xi32, #tpu.memory_space<hbm>>
    %dma_wait3A_66 = tpu.memref_slice %arg7[%dma_wait3A_61] : memref<4x!tpu.dma_semaphore, #tpu.memory_space<semaphore_mem>> -> memref<1x!tpu.dma_semaphore, #tpu.memory_space<semaphore_mem>>
    %dma_wait3A_67 = tpu.memref_squeeze %dma_wait3A_66 : memref<1x!tpu.dma_semaphore, #tpu.memory_space<semaphore_mem>> -> memref<!tpu.dma_semaphore, #tpu.memory_space<semaphore_mem>>
    %dma_wait3A_68 = arith.constant 0 : i32
    %dma_wait3A_69 = tpu.memref_slice %arg5[%dma_wait3A_60, %dma_wait3A_68] : memref<4x400xi32, #tpu.memory_space<vmem>> -> memref<1x400xi32, #tpu.memory_space<vmem>>
    %dma_wait3A_70 = tpu.memref_squeeze %dma_wait3A_69 : memref<1x400xi32, #tpu.memory_space<vmem>> -> memref<400xi32, #tpu.memory_space<vmem>>
    %dma_wait3A_71 = tpu.memref_slice %arg2[%add3A_59] : memref<3276800xi32, #tpu.memory_space<hbm>> -> memref<400xi32, #tpu.memory_space<hbm>>
    tpu.wait_dma2 semaphore(%dma_wait3A_67 : memref<!tpu.dma_semaphore, #tpu.memory_space<semaphore_mem>>) src(%dma_wait3A_71 : memref<400xi32, #tpu.memory_space<hbm>>) dst(%dma_wait3A_70 : memref<400xi32, #tpu.memory_space<vmem>>)
    %dma_start3A_72 = arith.constant 1 : i32
    %dma_start3A_73 = arith.constant 1 : i32
    %dma_start3A_74 = arith.constant 1 : i32
    %dma_start3A_75 = arith.constant 0 : i32
    %dma_start3A_76 = arith.constant 0 : i32
    %dma_start3A_77 = tpu.memref_slice %arg6[%dma_start3A_73, %dma_start3A_75, %dma_start3A_76] : memref<4x400x64xf32, #tpu.memory_space<vmem>> -> memref<1x400x64xf32, #tpu.memory_space<vmem>>
    %dma_start3A_78 = tpu.memref_squeeze %dma_start3A_77 : memref<1x400x64xf32, #tpu.memory_space<vmem>> -> memref<400x64xf32, #tpu.memory_space<vmem>>
    %dma_start3A_79 = arith.constant 0 : i32
    %dma_start3A_80 = tpu.memref_slice %arg5[%dma_start3A_72, %dma_start3A_79] : memref<4x400xi32, #tpu.memory_space<vmem>> -> memref<1x400xi32, #tpu.memory_space<vmem>>
    %dma_start3A_81 = tpu.memref_squeeze %dma_start3A_80 : memref<1x400xi32, #tpu.memory_space<vmem>> -> memref<400xi32, #tpu.memory_space<vmem>>
    %dma_start3A_82 = arith.constant 0 : i32
    %dma_start3A_83 = arith.constant 0 : i32
    %dma_start3A_84 = tpu.memref_slice %arg3[%dma_start3A_82, %dma_start3A_83] : memref<1000000x64xf32, #tpu.memory_space<hbm>> -> memref<1000000x64xf32, #tpu.memory_space<hbm>>
    %dma_start3A_85 = tpu.memref_slice %arg8[%dma_start3A_74] : memref<4x!tpu.dma_semaphore, #tpu.memory_space<semaphore_mem>> -> memref<1x!tpu.dma_semaphore, #tpu.memory_space<semaphore_mem>>
    %dma_start3A_86 = tpu.memref_squeeze %dma_start3A_85 : memref<1x!tpu.dma_semaphore, #tpu.memory_space<semaphore_mem>> -> memref<!tpu.dma_semaphore, #tpu.memory_space<semaphore_mem>>
    tpu.enqueue_indirect_dma source(%dma_start3A_84 : memref<1000000x64xf32, #tpu.memory_space<hbm>>) target(%dma_start3A_78 : memref<400x64xf32, #tpu.memory_space<vmem>>) offsets(%dma_start3A_81 : memref<400xi32, #tpu.memory_space<vmem>>) semaphore(%dma_start3A_86 : memref<!tpu.dma_semaphore, #tpu.memory_space<semaphore_mem>>)
    %dma_wait3A_87 = arith.constant 0 : i32
    %dma_wait3A_88 = arith.constant 0 : i32
    %dma_wait3A_89 = arith.constant 0 : i32
    %dma_wait3A_90 = arith.constant 0 : i32
    %dma_wait3A_91 = arith.constant 0 : i32
    %dma_wait3A_92 = tpu.memref_slice %arg6[%dma_wait3A_88, %dma_wait3A_90, %dma_wait3A_91] : memref<4x400x64xf32, #tpu.memory_space<vmem>> -> memref<1x400x64xf32, #tpu.memory_space<vmem>>
    %dma_wait3A_93 = tpu.memref_squeeze %dma_wait3A_92 : memref<1x400x64xf32, #tpu.memory_space<vmem>> -> memref<400x64xf32, #tpu.memory_space<vmem>>
    %dma_wait3A_94 = arith.constant 0 : i32
    %dma_wait3A_95 = tpu.memref_slice %arg5[%dma_wait3A_87, %dma_wait3A_94] : memref<4x400xi32, #tpu.memory_space<vmem>> -> memref<1x400xi32, #tpu.memory_space<vmem>>
    %dma_wait3A_96 = tpu.memref_squeeze %dma_wait3A_95 : memref<1x400xi32, #tpu.memory_space<vmem>> -> memref<400xi32, #tpu.memory_space<vmem>>
    %dma_wait3A_97 = arith.constant 0 : i32
    %dma_wait3A_98 = arith.constant 0 : i32
    %dma_wait3A_99 = tpu.memref_slice %arg3[%dma_wait3A_97, %dma_wait3A_98] : memref<1000000x64xf32, #tpu.memory_space<hbm>> -> memref<1000000x64xf32, #tpu.memory_space<hbm>>
    %dma_wait3A_100 = tpu.memref_slice %arg8[%dma_wait3A_89] : memref<4x!tpu.dma_semaphore, #tpu.memory_space<semaphore_mem>> -> memref<1x!tpu.dma_semaphore, #tpu.memory_space<semaphore_mem>>
    %dma_wait3A_101 = tpu.memref_squeeze %dma_wait3A_100 : memref<1x!tpu.dma_semaphore, #tpu.memory_space<semaphore_mem>> -> memref<!tpu.dma_semaphore, #tpu.memory_space<semaphore_mem>>
    tpu.wait_indirect_dma semaphore(%dma_wait3A_101 : memref<!tpu.dma_semaphore, #tpu.memory_space<semaphore_mem>>) src(%dma_wait3A_99 : memref<1000000x64xf32, #tpu.memory_space<hbm>>) dst(%dma_wait3A_93 : memref<400x64xf32, #tpu.memory_space<vmem>>)
    %add3A_102 = arith.constant 0 : i32
    %add3A_103 = arith.addi %mul3A_2, %add3A_102 : i32
    %dma_start3A_104 = arith.constant 0 : i32
    %dma_start3A_105 = arith.constant 0 : i32
    %dma_start3A_106 = arith.constant 0 : i32
    %dma_start3A_107 = arith.constant 0 : i32
    %dma_start3A_108 = tpu.memref_slice %arg6[%dma_start3A_104, %dma_start3A_106, %dma_start3A_107] : memref<4x400x64xf32, #tpu.memory_space<vmem>> -> memref<1x400x64xf32, #tpu.memory_space<vmem>>
    %dma_start3A_109 = tpu.memref_squeeze %dma_start3A_108 : memref<1x400x64xf32, #tpu.memory_space<vmem>> -> memref<400x64xf32, #tpu.memory_space<vmem>>
    %dma_start3A_110 = arith.constant 0 : i32
    %dma_start3A_111 = tpu.memref_slice %arg4[%add3A_103, %dma_start3A_110] : memref<3276800x128xf32, #tpu.memory_space<hbm>> -> memref<400x64xf32, #tpu.memory_space<hbm>>
    %dma_start3A_112 = tpu.memref_slice %arg9[%dma_start3A_105] : memref<4x!tpu.dma_semaphore, #tpu.memory_space<semaphore_mem>> -> memref<1x!tpu.dma_semaphore, #tpu.memory_space<semaphore_mem>>
    %dma_start3A_113 = tpu.memref_squeeze %dma_start3A_112 : memref<1x!tpu.dma_semaphore, #tpu.memory_space<semaphore_mem>> -> memref<!tpu.dma_semaphore, #tpu.memory_space<semaphore_mem>>
    %dma_start3A_114 = arith.constant 0 : i32
    %dma_start3A_115 = tpu.memref_slice %arg4[%add3A_103, %dma_start3A_114] : memref<3276800x128xf32, #tpu.memory_space<hbm>> -> memref<400x64xf32, #tpu.memory_space<hbm>>
    %dma_start3A_116 = arith.constant 0 : i32
    %dma_start3A_117 = arith.constant 0 : i32
    %dma_start3A_118 = tpu.memref_slice %arg6[%dma_start3A_104, %dma_start3A_116, %dma_start3A_117] : memref<4x400x64xf32, #tpu.memory_space<vmem>> -> memref<1x400x64xf32, #tpu.memory_space<vmem>>
    %dma_start3A_119 = tpu.memref_squeeze %dma_start3A_118 : memref<1x400x64xf32, #tpu.memory_space<vmem>> -> memref<400x64xf32, #tpu.memory_space<vmem>>
    tpu.enqueue_dma source(%dma_start3A_119 : memref<400x64xf32, #tpu.memory_space<vmem>>) target(%dma_start3A_115 : memref<400x64xf32, #tpu.memory_space<hbm>>) target_semaphore(%dma_start3A_113 : memref<!tpu.dma_semaphore, #tpu.memory_space<semaphore_mem>>)
    %add3A_120 = arith.constant 800 : i32
    %add3A_121 = arith.addi %mul3A_2, %add3A_120 : i32
    %dma_start3A_122 = arith.constant 2 : i32
    %dma_start3A_123 = arith.constant 2 : i32
    %dma_start3A_124 = arith.constant 0 : i32
    %dma_start3A_125 = tpu.memref_slice %arg5[%dma_start3A_122, %dma_start3A_124] : memref<4x400xi32, #tpu.memory_space<vmem>> -> memref<1x400xi32, #tpu.memory_space<vmem>>
    %dma_start3A_126 = tpu.memref_squeeze %dma_start3A_125 : memref<1x400xi32, #tpu.memory_space<vmem>> -> memref<400xi32, #tpu.memory_space<vmem>>
    %dma_start3A_127 = tpu.memref_slice %arg2[%add3A_121] : memref<3276800xi32, #tpu.memory_space<hbm>> -> memref<400xi32, #tpu.memory_space<hbm>>
    %dma_start3A_128 = tpu.memref_slice %arg7[%dma_start3A_123] : memref<4x!tpu.dma_semaphore, #tpu.memory_space<semaphore_mem>> -> memref<1x!tpu.dma_semaphore, #tpu.memory_space<semaphore_mem>>
    %dma_start3A_129 = tpu.memref_squeeze %dma_start3A_128 : memref<1x!tpu.dma_semaphore, #tpu.memory_space<semaphore_mem>> -> memref<!tpu.dma_semaphore, #tpu.memory_space<semaphore_mem>>
    %dma_start3A_130 = arith.constant 0 : i32
    %dma_start3A_131 = tpu.memref_slice %arg5[%dma_start3A_122, %dma_start3A_130] : memref<4x400xi32, #tpu.memory_space<vmem>> -> memref<1x400xi32, #tpu.memory_space<vmem>>
    %dma_start3A_132 = tpu.memref_squeeze %dma_start3A_131 : memref<1x400xi32, #tpu.memory_space<vmem>> -> memref<400xi32, #tpu.memory_space<vmem>>
    %dma_start3A_133 = tpu.memref_slice %arg2[%add3A_121] : memref<3276800xi32, #tpu.memory_space<hbm>> -> memref<400xi32, #tpu.memory_space<hbm>>
    tpu.enqueue_dma source(%dma_start3A_133 : memref<400xi32, #tpu.memory_space<hbm>>) target(%dma_start3A_132 : memref<400xi32, #tpu.memory_space<vmem>>) target_semaphore(%dma_start3A_129 : memref<!tpu.dma_semaphore, #tpu.memory_space<semaphore_mem>>)
    %add3A_134 = arith.constant 800 : i32
    %add3A_135 = arith.addi %mul3A_2, %add3A_134 : i32
    %dma_wait3A_136 = arith.constant 2 : i32
    %dma_wait3A_137 = arith.constant 2 : i32
    %dma_wait3A_138 = arith.constant 0 : i32
    %dma_wait3A_139 = tpu.memref_slice %arg5[%dma_wait3A_136, %dma_wait3A_138] : memref<4x400xi32, #tpu.memory_space<vmem>> -> memref<1x400xi32, #tpu.memory_space<vmem>>
    %dma_wait3A_140 = tpu.memref_squeeze %dma_wait3A_139 : memref<1x400xi32, #tpu.memory_space<vmem>> -> memref<400xi32, #tpu.memory_space<vmem>>
    %dma_wait3A_141 = tpu.memref_slice %arg2[%add3A_135] : memref<3276800xi32, #tpu.memory_space<hbm>> -> memref<400xi32, #tpu.memory_space<hbm>>
    %dma_wait3A_142 = tpu.memref_slice %arg7[%dma_wait3A_137] : memref<4x!tpu.dma_semaphore, #tpu.memory_space<semaphore_mem>> -> memref<1x!tpu.dma_semaphore, #tpu.memory_space<semaphore_mem>>
    %dma_wait3A_143 = tpu.memref_squeeze %dma_wait3A_142 : memref<1x!tpu.dma_semaphore, #tpu.memory_space<semaphore_mem>> -> memref<!tpu.dma_semaphore, #tpu.memory_space<semaphore_mem>>
    %dma_wait3A_144 = arith.constant 0 : i32
    %dma_wait3A_145 = tpu.memref_slice %arg5[%dma_wait3A_136, %dma_wait3A_144] : memref<4x400xi32, #tpu.memory_space<vmem>> -> memref<1x400xi32, #tpu.memory_space<vmem>>
    %dma_wait3A_146 = tpu.memref_squeeze %dma_wait3A_145 : memref<1x400xi32, #tpu.memory_space<vmem>> -> memref<400xi32, #tpu.memory_space<vmem>>
    %dma_wait3A_147 = tpu.memref_slice %arg2[%add3A_135] : memref<3276800xi32, #tpu.memory_space<hbm>> -> memref<400xi32, #tpu.memory_space<hbm>>
    tpu.wait_dma2 semaphore(%dma_wait3A_143 : memref<!tpu.dma_semaphore, #tpu.memory_space<semaphore_mem>>) src(%dma_wait3A_147 : memref<400xi32, #tpu.memory_space<hbm>>) dst(%dma_wait3A_146 : memref<400xi32, #tpu.memory_space<vmem>>)
    %dma_start3A_148 = arith.constant 2 : i32
    %dma_start3A_149 = arith.constant 2 : i32
    %dma_start3A_150 = arith.constant 2 : i32
    %dma_start3A_151 = arith.constant 0 : i32
    %dma_start3A_152 = arith.constant 0 : i32
    %dma_start3A_153 = tpu.memref_slice %arg6[%dma_start3A_149, %dma_start3A_151, %dma_start3A_152] : memref<4x400x64xf32, #tpu.memory_space<vmem>> -> memref<1x400x64xf32, #tpu.memory_space<vmem>>
    %dma_start3A_154 = tpu.memref_squeeze %dma_start3A_153 : memref<1x400x64xf32, #tpu.memory_space<vmem>> -> memref<400x64xf32, #tpu.memory_space<vmem>>
    %dma_start3A_155 = arith.constant 0 : i32
    %dma_start3A_156 = tpu.memref_slice %arg5[%dma_start3A_148, %dma_start3A_155] : memref<4x400xi32, #tpu.memory_space<vmem>> -> memref<1x400xi32, #tpu.memory_space<vmem>>
    %dma_start3A_157 = tpu.memref_squeeze %dma_start3A_156 : memref<1x400xi32, #tpu.memory_space<vmem>> -> memref<400xi32, #tpu.memory_space<vmem>>
    %dma_start3A_158 = arith.constant 0 : i32
    %dma_start3A_159 = arith.constant 0 : i32
    %dma_start3A_160 = tpu.memref_slice %arg3[%dma_start3A_158, %dma_start3A_159] : memref<1000000x64xf32, #tpu.memory_space<hbm>> -> memref<1000000x64xf32, #tpu.memory_space<hbm>>
    %dma_start3A_161 = tpu.memref_slice %arg8[%dma_start3A_150] : memref<4x!tpu.dma_semaphore, #tpu.memory_space<semaphore_mem>> -> memref<1x!tpu.dma_semaphore, #tpu.memory_space<semaphore_mem>>
    %dma_start3A_162 = tpu.memref_squeeze %dma_start3A_161 : memref<1x!tpu.dma_semaphore, #tpu.memory_space<semaphore_mem>> -> memref<!tpu.dma_semaphore, #tpu.memory_space<semaphore_mem>>
    tpu.enqueue_indirect_dma source(%dma_start3A_160 : memref<1000000x64xf32, #tpu.memory_space<hbm>>) target(%dma_start3A_154 : memref<400x64xf32, #tpu.memory_space<vmem>>) offsets(%dma_start3A_157 : memref<400xi32, #tpu.memory_space<vmem>>) semaphore(%dma_start3A_162 : memref<!tpu.dma_semaphore, #tpu.memory_space<semaphore_mem>>)
    %dma_wait3A_163 = arith.constant 1 : i32
    %dma_wait3A_164 = arith.constant 1 : i32
    %dma_wait3A_165 = arith.constant 1 : i32
    %dma_wait3A_166 = arith.constant 0 : i32
    %dma_wait3A_167 = arith.constant 0 : i32
    %dma_wait3A_168 = tpu.memref_slice %arg6[%dma_wait3A_164, %dma_wait3A_166, %dma_wait3A_167] : memref<4x400x64xf32, #tpu.memory_space<vmem>> -> memref<1x400x64xf32, #tpu.memory_space<vmem>>
    %dma_wait3A_169 = tpu.memref_squeeze %dma_wait3A_168 : memref<1x400x64xf32, #tpu.memory_space<vmem>> -> memref<400x64xf32, #tpu.memory_space<vmem>>
    %dma_wait3A_170 = arith.constant 0 : i32
    %dma_wait3A_171 = tpu.memref_slice %arg5[%dma_wait3A_163, %dma_wait3A_170] : memref<4x400xi32, #tpu.memory_space<vmem>> -> memref<1x400xi32, #tpu.memory_space<vmem>>
    %dma_wait3A_172 = tpu.memref_squeeze %dma_wait3A_171 : memref<1x400xi32, #tpu.memory_space<vmem>> -> memref<400xi32, #tpu.memory_space<vmem>>
    %dma_wait3A_173 = arith.constant 0 : i32
    %dma_wait3A_174 = arith.constant 0 : i32
    %dma_wait3A_175 = tpu.memref_slice %arg3[%dma_wait3A_173, %dma_wait3A_174] : memref<1000000x64xf32, #tpu.memory_space<hbm>> -> memref<1000000x64xf32, #tpu.memory_space<hbm>>
    %dma_wait3A_176 = tpu.memref_slice %arg8[%dma_wait3A_165] : memref<4x!tpu.dma_semaphore, #tpu.memory_space<semaphore_mem>> -> memref<1x!tpu.dma_semaphore, #tpu.memory_space<semaphore_mem>>
    %dma_wait3A_177 = tpu.memref_squeeze %dma_wait3A_176 : memref<1x!tpu.dma_semaphore, #tpu.memory_space<semaphore_mem>> -> memref<!tpu.dma_semaphore, #tpu.memory_space<semaphore_mem>>
    tpu.wait_indirect_dma semaphore(%dma_wait3A_177 : memref<!tpu.dma_semaphore, #tpu.memory_space<semaphore_mem>>) src(%dma_wait3A_175 : memref<1000000x64xf32, #tpu.memory_space<hbm>>) dst(%dma_wait3A_169 : memref<400x64xf32, #tpu.memory_space<vmem>>)
    %add3A_178 = arith.constant 400 : i32
    %add3A_179 = arith.addi %mul3A_2, %add3A_178 : i32
    %dma_start3A_180 = arith.constant 1 : i32
    %dma_start3A_181 = arith.constant 1 : i32
    %dma_start3A_182 = arith.constant 0 : i32
    %dma_start3A_183 = arith.constant 0 : i32
    %dma_start3A_184 = tpu.memref_slice %arg6[%dma_start3A_180, %dma_start3A_182, %dma_start3A_183] : memref<4x400x64xf32, #tpu.memory_space<vmem>> -> memref<1x400x64xf32, #tpu.memory_space<vmem>>
    %dma_start3A_185 = tpu.memref_squeeze %dma_start3A_184 : memref<1x400x64xf32, #tpu.memory_space<vmem>> -> memref<400x64xf32, #tpu.memory_space<vmem>>
    %dma_start3A_186 = arith.constant 0 : i32
    %dma_start3A_187 = tpu.memref_slice %arg4[%add3A_179, %dma_start3A_186] : memref<3276800x128xf32, #tpu.memory_space<hbm>> -> memref<400x64xf32, #tpu.memory_space<hbm>>
    %dma_start3A_188 = tpu.memref_slice %arg9[%dma_start3A_181] : memref<4x!tpu.dma_semaphore, #tpu.memory_space<semaphore_mem>> -> memref<1x!tpu.dma_semaphore, #tpu.memory_space<semaphore_mem>>
    %dma_start3A_189 = tpu.memref_squeeze %dma_start3A_188 : memref<1x!tpu.dma_semaphore, #tpu.memory_space<semaphore_mem>> -> memref<!tpu.dma_semaphore, #tpu.memory_space<semaphore_mem>>
    %dma_start3A_190 = arith.constant 0 : i32
    %dma_start3A_191 = tpu.memref_slice %arg4[%add3A_179, %dma_start3A_190] : memref<3276800x128xf32, #tpu.memory_space<hbm>> -> memref<400x64xf32, #tpu.memory_space<hbm>>
    %dma_start3A_192 = arith.constant 0 : i32
    %dma_start3A_193 = arith.constant 0 : i32
    %dma_start3A_194 = tpu.memref_slice %arg6[%dma_start3A_180, %dma_start3A_192, %dma_start3A_193] : memref<4x400x64xf32, #tpu.memory_space<vmem>> -> memref<1x400x64xf32, #tpu.memory_space<vmem>>
    %dma_start3A_195 = tpu.memref_squeeze %dma_start3A_194 : memref<1x400x64xf32, #tpu.memory_space<vmem>> -> memref<400x64xf32, #tpu.memory_space<vmem>>
    tpu.enqueue_dma source(%dma_start3A_195 : memref<400x64xf32, #tpu.memory_space<vmem>>) target(%dma_start3A_191 : memref<400x64xf32, #tpu.memory_space<hbm>>) target_semaphore(%dma_start3A_189 : memref<!tpu.dma_semaphore, #tpu.memory_space<semaphore_mem>>)
    %add3A_196 = arith.constant 1200 : i32
    %add3A_197 = arith.addi %mul3A_2, %add3A_196 : i32
    %dma_start3A_198 = arith.constant 3 : i32
    %dma_start3A_199 = arith.constant 3 : i32
    %dma_start3A_200 = arith.constant 0 : i32
    %dma_start3A_201 = tpu.memref_slice %arg5[%dma_start3A_198, %dma_start3A_200] : memref<4x400xi32, #tpu.memory_space<vmem>> -> memref<1x400xi32, #tpu.memory_space<vmem>>
    %dma_start3A_202 = tpu.memref_squeeze %dma_start3A_201 : memref<1x400xi32, #tpu.memory_space<vmem>> -> memref<400xi32, #tpu.memory_space<vmem>>
    %dma_start3A_203 = tpu.memref_slice %arg2[%add3A_197] : memref<3276800xi32, #tpu.memory_space<hbm>> -> memref<400xi32, #tpu.memory_space<hbm>>
    %dma_start3A_204 = tpu.memref_slice %arg7[%dma_start3A_199] : memref<4x!tpu.dma_semaphore, #tpu.memory_space<semaphore_mem>> -> memref<1x!tpu.dma_semaphore, #tpu.memory_space<semaphore_mem>>
    %dma_start3A_205 = tpu.memref_squeeze %dma_start3A_204 : memref<1x!tpu.dma_semaphore, #tpu.memory_space<semaphore_mem>> -> memref<!tpu.dma_semaphore, #tpu.memory_space<semaphore_mem>>
    %dma_start3A_206 = arith.constant 0 : i32
    %dma_start3A_207 = tpu.memref_slice %arg5[%dma_start3A_198, %dma_start3A_206] : memref<4x400xi32, #tpu.memory_space<vmem>> -> memref<1x400xi32, #tpu.memory_space<vmem>>
    %dma_start3A_208 = tpu.memref_squeeze %dma_start3A_207 : memref<1x400xi32, #tpu.memory_space<vmem>> -> memref<400xi32, #tpu.memory_space<vmem>>
    %dma_start3A_209 = tpu.memref_slice %arg2[%add3A_197] : memref<3276800xi32, #tpu.memory_space<hbm>> -> memref<400xi32, #tpu.memory_space<hbm>>
    tpu.enqueue_dma source(%dma_start3A_209 : memref<400xi32, #tpu.memory_space<hbm>>) target(%dma_start3A_208 : memref<400xi32, #tpu.memory_space<vmem>>) target_semaphore(%dma_start3A_205 : memref<!tpu.dma_semaphore, #tpu.memory_space<semaphore_mem>>)
    %add3A_210 = arith.constant 1200 : i32
    %add3A_211 = arith.addi %mul3A_2, %add3A_210 : i32
    %dma_wait3A_212 = arith.constant 3 : i32
    %dma_wait3A_213 = arith.constant 3 : i32
    %dma_wait3A_214 = arith.constant 0 : i32
    %dma_wait3A_215 = tpu.memref_slice %arg5[%dma_wait3A_212, %dma_wait3A_214] : memref<4x400xi32, #tpu.memory_space<vmem>> -> memref<1x400xi32, #tpu.memory_space<vmem>>
    %dma_wait3A_216 = tpu.memref_squeeze %dma_wait3A_215 : memref<1x400xi32, #tpu.memory_space<vmem>> -> memref<400xi32, #tpu.memory_space<vmem>>
    %dma_wait3A_217 = tpu.memref_slice %arg2[%add3A_211] : memref<3276800xi32, #tpu.memory_space<hbm>> -> memref<400xi32, #tpu.memory_space<hbm>>
    %dma_wait3A_218 = tpu.memref_slice %arg7[%dma_wait3A_213] : memref<4x!tpu.dma_semaphore, #tpu.memory_space<semaphore_mem>> -> memref<1x!tpu.dma_semaphore, #tpu.memory_space<semaphore_mem>>
    %dma_wait3A_219 = tpu.memref_squeeze %dma_wait3A_218 : memref<1x!tpu.dma_semaphore, #tpu.memory_space<semaphore_mem>> -> memref<!tpu.dma_semaphore, #tpu.memory_space<semaphore_mem>>
    %dma_wait3A_220 = arith.constant 0 : i32
    %dma_wait3A_221 = tpu.memref_slice %arg5[%dma_wait3A_212, %dma_wait3A_220] : memref<4x400xi32, #tpu.memory_space<vmem>> -> memref<1x400xi32, #tpu.memory_space<vmem>>
    %dma_wait3A_222 = tpu.memref_squeeze %dma_wait3A_221 : memref<1x400xi32, #tpu.memory_space<vmem>> -> memref<400xi32, #tpu.memory_space<vmem>>
    %dma_wait3A_223 = tpu.memref_slice %arg2[%add3A_211] : memref<3276800xi32, #tpu.memory_space<hbm>> -> memref<400xi32, #tpu.memory_space<hbm>>
    tpu.wait_dma2 semaphore(%dma_wait3A_219 : memref<!tpu.dma_semaphore, #tpu.memory_space<semaphore_mem>>) src(%dma_wait3A_223 : memref<400xi32, #tpu.memory_space<hbm>>) dst(%dma_wait3A_222 : memref<400xi32, #tpu.memory_space<vmem>>)
    %dma_start3A_224 = arith.constant 3 : i32
    %dma_start3A_225 = arith.constant 3 : i32
    %dma_start3A_226 = arith.constant 3 : i32
    %dma_start3A_227 = arith.constant 0 : i32
    %dma_start3A_228 = arith.constant 0 : i32
    %dma_start3A_229 = tpu.memref_slice %arg6[%dma_start3A_225, %dma_start3A_227, %dma_start3A_228] : memref<4x400x64xf32, #tpu.memory_space<vmem>> -> memref<1x400x64xf32, #tpu.memory_space<vmem>>
    %dma_start3A_230 = tpu.memref_squeeze %dma_start3A_229 : memref<1x400x64xf32, #tpu.memory_space<vmem>> -> memref<400x64xf32, #tpu.memory_space<vmem>>
    %dma_start3A_231 = arith.constant 0 : i32
    %dma_start3A_232 = tpu.memref_slice %arg5[%dma_start3A_224, %dma_start3A_231] : memref<4x400xi32, #tpu.memory_space<vmem>> -> memref<1x400xi32, #tpu.memory_space<vmem>>
    %dma_start3A_233 = tpu.memref_squeeze %dma_start3A_232 : memref<1x400xi32, #tpu.memory_space<vmem>> -> memref<400xi32, #tpu.memory_space<vmem>>
    %dma_start3A_234 = arith.constant 0 : i32
    %dma_start3A_235 = arith.constant 0 : i32
    %dma_start3A_236 = tpu.memref_slice %arg3[%dma_start3A_234, %dma_start3A_235] : memref<1000000x64xf32, #tpu.memory_space<hbm>> -> memref<1000000x64xf32, #tpu.memory_space<hbm>>
    %dma_start3A_237 = tpu.memref_slice %arg8[%dma_start3A_226] : memref<4x!tpu.dma_semaphore, #tpu.memory_space<semaphore_mem>> -> memref<1x!tpu.dma_semaphore, #tpu.memory_space<semaphore_mem>>
    %dma_start3A_238 = tpu.memref_squeeze %dma_start3A_237 : memref<1x!tpu.dma_semaphore, #tpu.memory_space<semaphore_mem>> -> memref<!tpu.dma_semaphore, #tpu.memory_space<semaphore_mem>>
    tpu.enqueue_indirect_dma source(%dma_start3A_236 : memref<1000000x64xf32, #tpu.memory_space<hbm>>) target(%dma_start3A_230 : memref<400x64xf32, #tpu.memory_space<vmem>>) offsets(%dma_start3A_233 : memref<400xi32, #tpu.memory_space<vmem>>) semaphore(%dma_start3A_238 : memref<!tpu.dma_semaphore, #tpu.memory_space<semaphore_mem>>)
    %dma_wait3A_239 = arith.constant 2 : i32
    %dma_wait3A_240 = arith.constant 2 : i32
    %dma_wait3A_241 = arith.constant 2 : i32
    %dma_wait3A_242 = arith.constant 0 : i32
    %dma_wait3A_243 = arith.constant 0 : i32
    %dma_wait3A_244 = tpu.memref_slice %arg6[%dma_wait3A_240, %dma_wait3A_242, %dma_wait3A_243] : memref<4x400x64xf32, #tpu.memory_space<vmem>> -> memref<1x400x64xf32, #tpu.memory_space<vmem>>
    %dma_wait3A_245 = tpu.memref_squeeze %dma_wait3A_244 : memref<1x400x64xf32, #tpu.memory_space<vmem>> -> memref<400x64xf32, #tpu.memory_space<vmem>>
    %dma_wait3A_246 = arith.constant 0 : i32
    %dma_wait3A_247 = tpu.memref_slice %arg5[%dma_wait3A_239, %dma_wait3A_246] : memref<4x400xi32, #tpu.memory_space<vmem>> -> memref<1x400xi32, #tpu.memory_space<vmem>>
    %dma_wait3A_248 = tpu.memref_squeeze %dma_wait3A_247 : memref<1x400xi32, #tpu.memory_space<vmem>> -> memref<400xi32, #tpu.memory_space<vmem>>
    %dma_wait3A_249 = arith.constant 0 : i32
    %dma_wait3A_250 = arith.constant 0 : i32
    %dma_wait3A_251 = tpu.memref_slice %arg3[%dma_wait3A_249, %dma_wait3A_250] : memref<1000000x64xf32, #tpu.memory_space<hbm>> -> memref<1000000x64xf32, #tpu.memory_space<hbm>>
    %dma_wait3A_252 = tpu.memref_slice %arg8[%dma_wait3A_241] : memref<4x!tpu.dma_semaphore, #tpu.memory_space<semaphore_mem>> -> memref<1x!tpu.dma_semaphore, #tpu.memory_space<semaphore_mem>>
    %dma_wait3A_253 = tpu.memref_squeeze %dma_wait3A_252 : memref<1x!tpu.dma_semaphore, #tpu.memory_space<semaphore_mem>> -> memref<!tpu.dma_semaphore, #tpu.memory_space<semaphore_mem>>
    tpu.wait_indirect_dma semaphore(%dma_wait3A_253 : memref<!tpu.dma_semaphore, #tpu.memory_space<semaphore_mem>>) src(%dma_wait3A_251 : memref<1000000x64xf32, #tpu.memory_space<hbm>>) dst(%dma_wait3A_245 : memref<400x64xf32, #tpu.memory_space<vmem>>)
    %add3A_254 = arith.constant 800 : i32
    %add3A_255 = arith.addi %mul3A_2, %add3A_254 : i32
    %dma_start3A_256 = arith.constant 2 : i32
    %dma_start3A_257 = arith.constant 2 : i32
    %dma_start3A_258 = arith.constant 0 : i32
    %dma_start3A_259 = arith.constant 0 : i32
    %dma_start3A_260 = tpu.memref_slice %arg6[%dma_start3A_256, %dma_start3A_258, %dma_start3A_259] : memref<4x400x64xf32, #tpu.memory_space<vmem>> -> memref<1x400x64xf32, #tpu.memory_space<vmem>>
    %dma_start3A_261 = tpu.memref_squeeze %dma_start3A_260 : memref<1x400x64xf32, #tpu.memory_space<vmem>> -> memref<400x64xf32, #tpu.memory_space<vmem>>
    %dma_start3A_262 = arith.constant 0 : i32
    %dma_start3A_263 = tpu.memref_slice %arg4[%add3A_255, %dma_start3A_262] : memref<3276800x128xf32, #tpu.memory_space<hbm>> -> memref<400x64xf32, #tpu.memory_space<hbm>>
    %dma_start3A_264 = tpu.memref_slice %arg9[%dma_start3A_257] : memref<4x!tpu.dma_semaphore, #tpu.memory_space<semaphore_mem>> -> memref<1x!tpu.dma_semaphore, #tpu.memory_space<semaphore_mem>>
    %dma_start3A_265 = tpu.memref_squeeze %dma_start3A_264 : memref<1x!tpu.dma_semaphore, #tpu.memory_space<semaphore_mem>> -> memref<!tpu.dma_semaphore, #tpu.memory_space<semaphore_mem>>
    %dma_start3A_266 = arith.constant 0 : i32
    %dma_start3A_267 = tpu.memref_slice %arg4[%add3A_255, %dma_start3A_266] : memref<3276800x128xf32, #tpu.memory_space<hbm>> -> memref<400x64xf32, #tpu.memory_space<hbm>>
    %dma_start3A_268 = arith.constant 0 : i32
    %dma_start3A_269 = arith.constant 0 : i32
    %dma_start3A_270 = tpu.memref_slice %arg6[%dma_start3A_256, %dma_start3A_268, %dma_start3A_269] : memref<4x400x64xf32, #tpu.memory_space<vmem>> -> memref<1x400x64xf32, #tpu.memory_space<vmem>>
    %dma_start3A_271 = tpu.memref_squeeze %dma_start3A_270 : memref<1x400x64xf32, #tpu.memory_space<vmem>> -> memref<400x64xf32, #tpu.memory_space<vmem>>
    tpu.enqueue_dma source(%dma_start3A_271 : memref<400x64xf32, #tpu.memory_space<vmem>>) target(%dma_start3A_267 : memref<400x64xf32, #tpu.memory_space<hbm>>) target_semaphore(%dma_start3A_265 : memref<!tpu.dma_semaphore, #tpu.memory_space<semaphore_mem>>)
    %add3A_272 = arith.constant 1600 : i32
    %add3A_273 = arith.addi %mul3A_2, %add3A_272 : i32
    %dma_start3A_274 = arith.constant 0 : i32
    %dma_start3A_275 = arith.constant 0 : i32
    %dma_start3A_276 = arith.constant 0 : i32
    %dma_start3A_277 = tpu.memref_slice %arg5[%dma_start3A_274, %dma_start3A_276] : memref<4x400xi32, #tpu.memory_space<vmem>> -> memref<1x400xi32, #tpu.memory_space<vmem>>
    %dma_start3A_278 = tpu.memref_squeeze %dma_start3A_277 : memref<1x400xi32, #tpu.memory_space<vmem>> -> memref<400xi32, #tpu.memory_space<vmem>>
    %dma_start3A_279 = tpu.memref_slice %arg2[%add3A_273] : memref<3276800xi32, #tpu.memory_space<hbm>> -> memref<400xi32, #tpu.memory_space<hbm>>
    %dma_start3A_280 = tpu.memref_slice %arg7[%dma_start3A_275] : memref<4x!tpu.dma_semaphore, #tpu.memory_space<semaphore_mem>> -> memref<1x!tpu.dma_semaphore, #tpu.memory_space<semaphore_mem>>
    %dma_start3A_281 = tpu.memref_squeeze %dma_start3A_280 : memref<1x!tpu.dma_semaphore, #tpu.memory_space<semaphore_mem>> -> memref<!tpu.dma_semaphore, #tpu.memory_space<semaphore_mem>>
    %dma_start3A_282 = arith.constant 0 : i32
    %dma_start3A_283 = tpu.memref_slice %arg5[%dma_start3A_274, %dma_start3A_282] : memref<4x400xi32, #tpu.memory_space<vmem>> -> memref<1x400xi32, #tpu.memory_space<vmem>>
    %dma_start3A_284 = tpu.memref_squeeze %dma_start3A_283 : memref<1x400xi32, #tpu.memory_space<vmem>> -> memref<400xi32, #tpu.memory_space<vmem>>
    %dma_start3A_285 = tpu.memref_slice %arg2[%add3A_273] : memref<3276800xi32, #tpu.memory_space<hbm>> -> memref<400xi32, #tpu.memory_space<hbm>>
    tpu.enqueue_dma source(%dma_start3A_285 : memref<400xi32, #tpu.memory_space<hbm>>) target(%dma_start3A_284 : memref<400xi32, #tpu.memory_space<vmem>>) target_semaphore(%dma_start3A_281 : memref<!tpu.dma_semaphore, #tpu.memory_space<semaphore_mem>>)
    %add3A_286 = arith.constant 1600 : i32
    %add3A_287 = arith.addi %mul3A_2, %add3A_286 : i32
    %dma_wait3A_288 = arith.constant 0 : i32
    %dma_wait3A_289 = arith.constant 0 : i32
    %dma_wait3A_290 = arith.constant 0 : i32
    %dma_wait3A_291 = tpu.memref_slice %arg5[%dma_wait3A_288, %dma_wait3A_290] : memref<4x400xi32, #tpu.memory_space<vmem>> -> memref<1x400xi32, #tpu.memory_space<vmem>>
    %dma_wait3A_292 = tpu.memref_squeeze %dma_wait3A_291 : memref<1x400xi32, #tpu.memory_space<vmem>> -> memref<400xi32, #tpu.memory_space<vmem>>
    %dma_wait3A_293 = tpu.memref_slice %arg2[%add3A_287] : memref<3276800xi32, #tpu.memory_space<hbm>> -> memref<400xi32, #tpu.memory_space<hbm>>
    %dma_wait3A_294 = tpu.memref_slice %arg7[%dma_wait3A_289] : memref<4x!tpu.dma_semaphore, #tpu.memory_space<semaphore_mem>> -> memref<1x!tpu.dma_semaphore, #tpu.memory_space<semaphore_mem>>
    %dma_wait3A_295 = tpu.memref_squeeze %dma_wait3A_294 : memref<1x!tpu.dma_semaphore, #tpu.memory_space<semaphore_mem>> -> memref<!tpu.dma_semaphore, #tpu.memory_space<semaphore_mem>>
    %dma_wait3A_296 = arith.constant 0 : i32
    %dma_wait3A_297 = tpu.memref_slice %arg5[%dma_wait3A_288, %dma_wait3A_296] : memref<4x400xi32, #tpu.memory_space<vmem>> -> memref<1x400xi32, #tpu.memory_space<vmem>>
    %dma_wait3A_298 = tpu.memref_squeeze %dma_wait3A_297 : memref<1x400xi32, #tpu.memory_space<vmem>> -> memref<400xi32, #tpu.memory_space<vmem>>
    %dma_wait3A_299 = tpu.memref_slice %arg2[%add3A_287] : memref<3276800xi32, #tpu.memory_space<hbm>> -> memref<400xi32, #tpu.memory_space<hbm>>
    tpu.wait_dma2 semaphore(%dma_wait3A_295 : memref<!tpu.dma_semaphore, #tpu.memory_space<semaphore_mem>>) src(%dma_wait3A_299 : memref<400xi32, #tpu.memory_space<hbm>>) dst(%dma_wait3A_298 : memref<400xi32, #tpu.memory_space<vmem>>)
    %add3A_300 = arith.constant 0 : i32
    %add3A_301 = arith.addi %mul3A_2, %add3A_300 : i32
    %dma_wait3A_302 = arith.constant 0 : i32
    %dma_wait3A_303 = arith.constant 0 : i32
    %dma_wait3A_304 = arith.constant 0 : i32
    %dma_wait3A_305 = arith.constant 0 : i32
    %dma_wait3A_306 = tpu.memref_slice %arg6[%dma_wait3A_302, %dma_wait3A_304, %dma_wait3A_305] : memref<4x400x64xf32, #tpu.memory_space<vmem>> -> memref<1x400x64xf32, #tpu.memory_space<vmem>>
    %dma_wait3A_307 = tpu.memref_squeeze %dma_wait3A_306 : memref<1x400x64xf32, #tpu.memory_space<vmem>> -> memref<400x64xf32, #tpu.memory_space<vmem>>
    %dma_wait3A_308 = arith.constant 0 : i32
    %dma_wait3A_309 = tpu.memref_slice %arg4[%add3A_301, %dma_wait3A_308] : memref<3276800x128xf32, #tpu.memory_space<hbm>> -> memref<400x64xf32, #tpu.memory_space<hbm>>
    %dma_wait3A_310 = tpu.memref_slice %arg9[%dma_wait3A_303] : memref<4x!tpu.dma_semaphore, #tpu.memory_space<semaphore_mem>> -> memref<1x!tpu.dma_semaphore, #tpu.memory_space<semaphore_mem>>
    %dma_wait3A_311 = tpu.memref_squeeze %dma_wait3A_310 : memref<1x!tpu.dma_semaphore, #tpu.memory_space<semaphore_mem>> -> memref<!tpu.dma_semaphore, #tpu.memory_space<semaphore_mem>>
    %dma_wait3A_312 = arith.constant 0 : i32
    %dma_wait3A_313 = tpu.memref_slice %arg4[%add3A_301, %dma_wait3A_312] : memref<3276800x128xf32, #tpu.memory_space<hbm>> -> memref<400x64xf32, #tpu.memory_space<hbm>>
    %dma_wait3A_314 = arith.constant 0 : i32
    %dma_wait3A_315 = arith.constant 0 : i32
    %dma_wait3A_316 = tpu.memref_slice %arg6[%dma_wait3A_302, %dma_wait3A_314, %dma_wait3A_315] : memref<4x400x64xf32, #tpu.memory_space<vmem>> -> memref<1x400x64xf32, #tpu.memory_space<vmem>>
    %dma_wait3A_317 = tpu.memref_squeeze %dma_wait3A_316 : memref<1x400x64xf32, #tpu.memory_space<vmem>> -> memref<400x64xf32, #tpu.memory_space<vmem>>
    tpu.wait_dma2 semaphore(%dma_wait3A_311 : memref<!tpu.dma_semaphore, #tpu.memory_space<semaphore_mem>>) src(%dma_wait3A_317 : memref<400x64xf32, #tpu.memory_space<vmem>>) dst(%dma_wait3A_313 : memref<400x64xf32, #tpu.memory_space<hbm>>)
    %dma_start3A_318 = arith.constant 0 : i32
    %dma_start3A_319 = arith.constant 0 : i32
    %dma_start3A_320 = arith.constant 0 : i32
    %dma_start3A_321 = arith.constant 0 : i32
    %dma_start3A_322 = arith.constant 0 : i32
    %dma_start3A_323 = tpu.memref_slice %arg6[%dma_start3A_319, %dma_start3A_321, %dma_start3A_322] : memref<4x400x64xf32, #tpu.memory_space<vmem>> -> memref<1x400x64xf32, #tpu.memory_space<vmem>>
    %dma_start3A_324 = tpu.memref_squeeze %dma_start3A_323 : memref<1x400x64xf32, #tpu.memory_space<vmem>> -> memref<400x64xf32, #tpu.memory_space<vmem>>
    %dma_start3A_325 = arith.constant 0 : i32
    %dma_start3A_326 = tpu.memref_slice %arg5[%dma_start3A_318, %dma_start3A_325] : memref<4x400xi32, #tpu.memory_space<vmem>> -> memref<1x400xi32, #tpu.memory_space<vmem>>
    %dma_start3A_327 = tpu.memref_squeeze %dma_start3A_326 : memref<1x400xi32, #tpu.memory_space<vmem>> -> memref<400xi32, #tpu.memory_space<vmem>>
    %dma_start3A_328 = arith.constant 0 : i32
    %dma_start3A_329 = arith.constant 0 : i32
    %dma_start3A_330 = tpu.memref_slice %arg3[%dma_start3A_328, %dma_start3A_329] : memref<1000000x64xf32, #tpu.memory_space<hbm>> -> memref<1000000x64xf32, #tpu.memory_space<hbm>>
    %dma_start3A_331 = tpu.memref_slice %arg8[%dma_start3A_320] : memref<4x!tpu.dma_semaphore, #tpu.memory_space<semaphore_mem>> -> memref<1x!tpu.dma_semaphore, #tpu.memory_space<semaphore_mem>>
    %dma_start3A_332 = tpu.memref_squeeze %dma_start3A_331 : memref<1x!tpu.dma_semaphore, #tpu.memory_space<semaphore_mem>> -> memref<!tpu.dma_semaphore, #tpu.memory_space<semaphore_mem>>
    tpu.enqueue_indirect_dma source(%dma_start3A_330 : memref<1000000x64xf32, #tpu.memory_space<hbm>>) target(%dma_start3A_324 : memref<400x64xf32, #tpu.memory_space<vmem>>) offsets(%dma_start3A_327 : memref<400xi32, #tpu.memory_space<vmem>>) semaphore(%dma_start3A_332 : memref<!tpu.dma_semaphore, #tpu.memory_space<semaphore_mem>>)
    %dma_wait3A_333 = arith.constant 3 : i32
    %dma_wait3A_334 = arith.constant 3 : i32
    %dma_wait3A_335 = arith.constant 3 : i32
    %dma_wait3A_336 = arith.constant 0 : i32
    %dma_wait3A_337 = arith.constant 0 : i32
    %dma_wait3A_338 = tpu.memref_slice %arg6[%dma_wait3A_334, %dma_wait3A_336, %dma_wait3A_337] : memref<4x400x64xf32, #tpu.memory_space<vmem>> -> memref<1x400x64xf32, #tpu.memory_space<vmem>>
    %dma_wait3A_339 = tpu.memref_squeeze %dma_wait3A_338 : memref<1x400x64xf32, #tpu.memory_space<vmem>> -> memref<400x64xf32, #tpu.memory_space<vmem>>
    %dma_wait3A_340 = arith.constant 0 : i32
    %dma_wait3A_341 = tpu.memref_slice %arg5[%dma_wait3A_333, %dma_wait3A_340] : memref<4x400xi32, #tpu.memory_space<vmem>> -> memref<1x400xi32, #tpu.memory_space<vmem>>
    %dma_wait3A_342 = tpu.memref_squeeze %dma_wait3A_341 : memref<1x400xi32, #tpu.memory_space<vmem>> -> memref<400xi32, #tpu.memory_space<vmem>>
    %dma_wait3A_343 = arith.constant 0 : i32
    %dma_wait3A_344 = arith.constant 0 : i32
    %dma_wait3A_345 = tpu.memref_slice %arg3[%dma_wait3A_343, %dma_wait3A_344] : memref<1000000x64xf32, #tpu.memory_space<hbm>> -> memref<1000000x64xf32, #tpu.memory_space<hbm>>
    %dma_wait3A_346 = tpu.memref_slice %arg8[%dma_wait3A_335] : memref<4x!tpu.dma_semaphore, #tpu.memory_space<semaphore_mem>> -> memref<1x!tpu.dma_semaphore, #tpu.memory_space<semaphore_mem>>
    %dma_wait3A_347 = tpu.memref_squeeze %dma_wait3A_346 : memref<1x!tpu.dma_semaphore, #tpu.memory_space<semaphore_mem>> -> memref<!tpu.dma_semaphore, #tpu.memory_space<semaphore_mem>>
    tpu.wait_indirect_dma semaphore(%dma_wait3A_347 : memref<!tpu.dma_semaphore, #tpu.memory_space<semaphore_mem>>) src(%dma_wait3A_345 : memref<1000000x64xf32, #tpu.memory_space<hbm>>) dst(%dma_wait3A_339 : memref<400x64xf32, #tpu.memory_space<vmem>>)
    %add3A_348 = arith.constant 1200 : i32
    %add3A_349 = arith.addi %mul3A_2, %add3A_348 : i32
    %dma_start3A_350 = arith.constant 3 : i32
    %dma_start3A_351 = arith.constant 3 : i32
    %dma_start3A_352 = arith.constant 0 : i32
    %dma_start3A_353 = arith.constant 0 : i32
    %dma_start3A_354 = tpu.memref_slice %arg6[%dma_start3A_350, %dma_start3A_352, %dma_start3A_353] : memref<4x400x64xf32, #tpu.memory_space<vmem>> -> memref<1x400x64xf32, #tpu.memory_space<vmem>>
    %dma_start3A_355 = tpu.memref_squeeze %dma_start3A_354 : memref<1x400x64xf32, #tpu.memory_space<vmem>> -> memref<400x64xf32, #tpu.memory_space<vmem>>
    %dma_start3A_356 = arith.constant 0 : i32
    %dma_start3A_357 = tpu.memref_slice %arg4[%add3A_349, %dma_start3A_356] : memref<3276800x128xf32, #tpu.memory_space<hbm>> -> memref<400x64xf32, #tpu.memory_space<hbm>>
    %dma_start3A_358 = tpu.memref_slice %arg9[%dma_start3A_351] : memref<4x!tpu.dma_semaphore, #tpu.memory_space<semaphore_mem>> -> memref<1x!tpu.dma_semaphore, #tpu.memory_space<semaphore_mem>>
    %dma_start3A_359 = tpu.memref_squeeze %dma_start3A_358 : memref<1x!tpu.dma_semaphore, #tpu.memory_space<semaphore_mem>> -> memref<!tpu.dma_semaphore, #tpu.memory_space<semaphore_mem>>
    %dma_start3A_360 = arith.constant 0 : i32
    %dma_start3A_361 = tpu.memref_slice %arg4[%add3A_349, %dma_start3A_360] : memref<3276800x128xf32, #tpu.memory_space<hbm>> -> memref<400x64xf32, #tpu.memory_space<hbm>>
    %dma_start3A_362 = arith.constant 0 : i32
    %dma_start3A_363 = arith.constant 0 : i32
    %dma_start3A_364 = tpu.memref_slice %arg6[%dma_start3A_350, %dma_start3A_362, %dma_start3A_363] : memref<4x400x64xf32, #tpu.memory_space<vmem>> -> memref<1x400x64xf32, #tpu.memory_space<vmem>>
    %dma_start3A_365 = tpu.memref_squeeze %dma_start3A_364 : memref<1x400x64xf32, #tpu.memory_space<vmem>> -> memref<400x64xf32, #tpu.memory_space<vmem>>
    tpu.enqueue_dma source(%dma_start3A_365 : memref<400x64xf32, #tpu.memory_space<vmem>>) target(%dma_start3A_361 : memref<400x64xf32, #tpu.memory_space<hbm>>) target_semaphore(%dma_start3A_359 : memref<!tpu.dma_semaphore, #tpu.memory_space<semaphore_mem>>)
    %add3A_366 = arith.constant 2000 : i32
    %add3A_367 = arith.addi %mul3A_2, %add3A_366 : i32
    %dma_start3A_368 = arith.constant 1 : i32
    %dma_start3A_369 = arith.constant 1 : i32
    %dma_start3A_370 = arith.constant 0 : i32
    %dma_start3A_371 = tpu.memref_slice %arg5[%dma_start3A_368, %dma_start3A_370] : memref<4x400xi32, #tpu.memory_space<vmem>> -> memref<1x400xi32, #tpu.memory_space<vmem>>
    %dma_start3A_372 = tpu.memref_squeeze %dma_start3A_371 : memref<1x400xi32, #tpu.memory_space<vmem>> -> memref<400xi32, #tpu.memory_space<vmem>>
    %dma_start3A_373 = tpu.memref_slice %arg2[%add3A_367] : memref<3276800xi32, #tpu.memory_space<hbm>> -> memref<400xi32, #tpu.memory_space<hbm>>
    %dma_start3A_374 = tpu.memref_slice %arg7[%dma_start3A_369] : memref<4x!tpu.dma_semaphore, #tpu.memory_space<semaphore_mem>> -> memref<1x!tpu.dma_semaphore, #tpu.memory_space<semaphore_mem>>
    %dma_start3A_375 = tpu.memref_squeeze %dma_start3A_374 : memref<1x!tpu.dma_semaphore, #tpu.memory_space<semaphore_mem>> -> memref<!tpu.dma_semaphore, #tpu.memory_space<semaphore_mem>>
    %dma_start3A_376 = arith.constant 0 : i32
    %dma_start3A_377 = tpu.memref_slice %arg5[%dma_start3A_368, %dma_start3A_376] : memref<4x400xi32, #tpu.memory_space<vmem>> -> memref<1x400xi32, #tpu.memory_space<vmem>>
    %dma_start3A_378 = tpu.memref_squeeze %dma_start3A_377 : memref<1x400xi32, #tpu.memory_space<vmem>> -> memref<400xi32, #tpu.memory_space<vmem>>
    %dma_start3A_379 = tpu.memref_slice %arg2[%add3A_367] : memref<3276800xi32, #tpu.memory_space<hbm>> -> memref<400xi32, #tpu.memory_space<hbm>>
    tpu.enqueue_dma source(%dma_start3A_379 : memref<400xi32, #tpu.memory_space<hbm>>) target(%dma_start3A_378 : memref<400xi32, #tpu.memory_space<vmem>>) target_semaphore(%dma_start3A_375 : memref<!tpu.dma_semaphore, #tpu.memory_space<semaphore_mem>>)
    %scan3A = arith.constant 0 : i32
    %scan3A_380 = arith.constant 62 : i32
    %scan3A_381 = arith.addi %scan3A, %scan3A_380 : i32
    %scan3A_382 = arith.constant 1 : i32
    scf.for %scan3A_757 = %scan3A to %scan3A_381 step %scan3A_382  : i32 {
      %mul3A_758 = arith.constant 1 : i32
      %mul3A_759 = arith.muli %scan3A_757, %mul3A_758 : i32
      %add3A_760 = arith.constant 1 : i32
      %add3A_761 = arith.addi %add3A_760, %mul3A_759 : i32
      %mul3A_762 = arith.constant 4 : i32
      %mul3A_763 = arith.muli %add3A_761, %mul3A_762 : i32
      %add3A_764 = arith.constant 0 : i32
      %add3A_765 = arith.addi %mul3A_763, %add3A_764 : i32
      %add3A_766 = arith.constant 1 : i32
      %add3A_767 = arith.addi %add3A_765, %add3A_766 : i32
      %mul3A_768 = arith.constant 400 : i32
      %mul3A_769 = arith.muli %add3A_767, %mul3A_768 : i32
      %add3A_770 = arith.addi %mul3A_2, %mul3A_769 : i32
      %dma_wait3A_771 = arith.constant 1 : i32
      %dma_wait3A_772 = arith.constant 1 : i32
      %dma_wait3A_773 = arith.constant 0 : i32
      %dma_wait3A_774 = tpu.memref_slice %arg5[%dma_wait3A_771, %dma_wait3A_773] : memref<4x400xi32, #tpu.memory_space<vmem>> -> memref<1x400xi32, #tpu.memory_space<vmem>>
      %dma_wait3A_775 = tpu.memref_squeeze %dma_wait3A_774 : memref<1x400xi32, #tpu.memory_space<vmem>> -> memref<400xi32, #tpu.memory_space<vmem>>
      %dma_wait3A_776 = tpu.memref_slice %arg2[%add3A_770] : memref<3276800xi32, #tpu.memory_space<hbm>> -> memref<400xi32, #tpu.memory_space<hbm>>
      %dma_wait3A_777 = tpu.memref_slice %arg7[%dma_wait3A_772] : memref<4x!tpu.dma_semaphore, #tpu.memory_space<semaphore_mem>> -> memref<1x!tpu.dma_semaphore, #tpu.memory_space<semaphore_mem>>
      %dma_wait3A_778 = tpu.memref_squeeze %dma_wait3A_777 : memref<1x!tpu.dma_semaphore, #tpu.memory_space<semaphore_mem>> -> memref<!tpu.dma_semaphore, #tpu.memory_space<semaphore_mem>>
      %dma_wait3A_779 = arith.constant 0 : i32
      %dma_wait3A_780 = tpu.memref_slice %arg5[%dma_wait3A_771, %dma_wait3A_779] : memref<4x400xi32, #tpu.memory_space<vmem>> -> memref<1x400xi32, #tpu.memory_space<vmem>>
      %dma_wait3A_781 = tpu.memref_squeeze %dma_wait3A_780 : memref<1x400xi32, #tpu.memory_space<vmem>> -> memref<400xi32, #tpu.memory_space<vmem>>
      %dma_wait3A_782 = tpu.memref_slice %arg2[%add3A_770] : memref<3276800xi32, #tpu.memory_space<hbm>> -> memref<400xi32, #tpu.memory_space<hbm>>
      tpu.wait_dma2 semaphore(%dma_wait3A_778 : memref<!tpu.dma_semaphore, #tpu.memory_space<semaphore_mem>>) src(%dma_wait3A_782 : memref<400xi32, #tpu.memory_space<hbm>>) dst(%dma_wait3A_781 : memref<400xi32, #tpu.memory_space<vmem>>)
      %add3A_783 = arith.constant 1 : i32
      %add3A_784 = arith.addi %add3A_765, %add3A_783 : i32
      %sub3A = arith.constant 4 : i32
      %sub3A_785 = arith.subi %add3A_784, %sub3A : i32
      %mul3A_786 = arith.constant 400 : i32
      %mul3A_787 = arith.muli %sub3A_785, %mul3A_786 : i32
      %add3A_788 = arith.addi %mul3A_2, %mul3A_787 : i32
      %dma_wait3A_789 = arith.constant 1 : i32
      %dma_wait3A_790 = arith.constant 1 : i32
      %dma_wait3A_791 = arith.constant 0 : i32
      %dma_wait3A_792 = arith.constant 0 : i32
      %dma_wait3A_793 = tpu.memref_slice %arg6[%dma_wait3A_789, %dma_wait3A_791, %dma_wait3A_792] : memref<4x400x64xf32, #tpu.memory_space<vmem>> -> memref<1x400x64xf32, #tpu.memory_space<vmem>>
      %dma_wait3A_794 = tpu.memref_squeeze %dma_wait3A_793 : memref<1x400x64xf32, #tpu.memory_space<vmem>> -> memref<400x64xf32, #tpu.memory_space<vmem>>
      %dma_wait3A_795 = arith.constant 0 : i32
      %dma_wait3A_796 = tpu.memref_slice %arg4[%add3A_788, %dma_wait3A_795] : memref<3276800x128xf32, #tpu.memory_space<hbm>> -> memref<400x64xf32, #tpu.memory_space<hbm>>
      %dma_wait3A_797 = tpu.memref_slice %arg9[%dma_wait3A_790] : memref<4x!tpu.dma_semaphore, #tpu.memory_space<semaphore_mem>> -> memref<1x!tpu.dma_semaphore, #tpu.memory_space<semaphore_mem>>
      %dma_wait3A_798 = tpu.memref_squeeze %dma_wait3A_797 : memref<1x!tpu.dma_semaphore, #tpu.memory_space<semaphore_mem>> -> memref<!tpu.dma_semaphore, #tpu.memory_space<semaphore_mem>>
      %dma_wait3A_799 = arith.constant 0 : i32
      %dma_wait3A_800 = tpu.memref_slice %arg4[%add3A_788, %dma_wait3A_799] : memref<3276800x128xf32, #tpu.memory_space<hbm>> -> memref<400x64xf32, #tpu.memory_space<hbm>>
      %dma_wait3A_801 = arith.constant 0 : i32
      %dma_wait3A_802 = arith.constant 0 : i32
      %dma_wait3A_803 = tpu.memref_slice %arg6[%dma_wait3A_789, %dma_wait3A_801, %dma_wait3A_802] : memref<4x400x64xf32, #tpu.memory_space<vmem>> -> memref<1x400x64xf32, #tpu.memory_space<vmem>>
      %dma_wait3A_804 = tpu.memref_squeeze %dma_wait3A_803 : memref<1x400x64xf32, #tpu.memory_space<vmem>> -> memref<400x64xf32, #tpu.memory_space<vmem>>
      tpu.wait_dma2 semaphore(%dma_wait3A_798 : memref<!tpu.dma_semaphore, #tpu.memory_space<semaphore_mem>>) src(%dma_wait3A_804 : memref<400x64xf32, #tpu.memory_space<vmem>>) dst(%dma_wait3A_800 : memref<400x64xf32, #tpu.memory_space<hbm>>)
      %dma_start3A_805 = arith.constant 1 : i32
      %dma_start3A_806 = arith.constant 1 : i32
      %dma_start3A_807 = arith.constant 1 : i32
      %dma_start3A_808 = arith.constant 0 : i32
      %dma_start3A_809 = arith.constant 0 : i32
      %dma_start3A_810 = tpu.memref_slice %arg6[%dma_start3A_806, %dma_start3A_808, %dma_start3A_809] : memref<4x400x64xf32, #tpu.memory_space<vmem>> -> memref<1x400x64xf32, #tpu.memory_space<vmem>>
      %dma_start3A_811 = tpu.memref_squeeze %dma_start3A_810 : memref<1x400x64xf32, #tpu.memory_space<vmem>> -> memref<400x64xf32, #tpu.memory_space<vmem>>
      %dma_start3A_812 = arith.constant 0 : i32
      %dma_start3A_813 = tpu.memref_slice %arg5[%dma_start3A_805, %dma_start3A_812] : memref<4x400xi32, #tpu.memory_space<vmem>> -> memref<1x400xi32, #tpu.memory_space<vmem>>
      %dma_start3A_814 = tpu.memref_squeeze %dma_start3A_813 : memref<1x400xi32, #tpu.memory_space<vmem>> -> memref<400xi32, #tpu.memory_space<vmem>>
      %dma_start3A_815 = arith.constant 0 : i32
      %dma_start3A_816 = arith.constant 0 : i32
      %dma_start3A_817 = tpu.memref_slice %arg3[%dma_start3A_815, %dma_start3A_816] : memref<1000000x64xf32, #tpu.memory_space<hbm>> -> memref<1000000x64xf32, #tpu.memory_space<hbm>>
      %dma_start3A_818 = tpu.memref_slice %arg8[%dma_start3A_807] : memref<4x!tpu.dma_semaphore, #tpu.memory_space<semaphore_mem>> -> memref<1x!tpu.dma_semaphore, #tpu.memory_space<semaphore_mem>>
      %dma_start3A_819 = tpu.memref_squeeze %dma_start3A_818 : memref<1x!tpu.dma_semaphore, #tpu.memory_space<semaphore_mem>> -> memref<!tpu.dma_semaphore, #tpu.memory_space<semaphore_mem>>
      tpu.enqueue_indirect_dma source(%dma_start3A_817 : memref<1000000x64xf32, #tpu.memory_space<hbm>>) target(%dma_start3A_811 : memref<400x64xf32, #tpu.memory_space<vmem>>) offsets(%dma_start3A_814 : memref<400xi32, #tpu.memory_space<vmem>>) semaphore(%dma_start3A_819 : memref<!tpu.dma_semaphore, #tpu.memory_space<semaphore_mem>>)
      %dma_wait3A_820 = arith.constant 0 : i32
      %dma_wait3A_821 = arith.constant 0 : i32
      %dma_wait3A_822 = arith.constant 0 : i32
      %dma_wait3A_823 = arith.constant 0 : i32
      %dma_wait3A_824 = arith.constant 0 : i32
      %dma_wait3A_825 = tpu.memref_slice %arg6[%dma_wait3A_821, %dma_wait3A_823, %dma_wait3A_824] : memref<4x400x64xf32, #tpu.memory_space<vmem>> -> memref<1x400x64xf32, #tpu.memory_space<vmem>>
      %dma_wait3A_826 = tpu.memref_squeeze %dma_wait3A_825 : memref<1x400x64xf32, #tpu.memory_space<vmem>> -> memref<400x64xf32, #tpu.memory_space<vmem>>
      %dma_wait3A_827 = arith.constant 0 : i32
      %dma_wait3A_828 = tpu.memref_slice %arg5[%dma_wait3A_820, %dma_wait3A_827] : memref<4x400xi32, #tpu.memory_space<vmem>> -> memref<1x400xi32, #tpu.memory_space<vmem>>
      %dma_wait3A_829 = tpu.memref_squeeze %dma_wait3A_828 : memref<1x400xi32, #tpu.memory_space<vmem>> -> memref<400xi32, #tpu.memory_space<vmem>>
      %dma_wait3A_830 = arith.constant 0 : i32
      %dma_wait3A_831 = arith.constant 0 : i32
      %dma_wait3A_832 = tpu.memref_slice %arg3[%dma_wait3A_830, %dma_wait3A_831] : memref<1000000x64xf32, #tpu.memory_space<hbm>> -> memref<1000000x64xf32, #tpu.memory_space<hbm>>
      %dma_wait3A_833 = tpu.memref_slice %arg8[%dma_wait3A_822] : memref<4x!tpu.dma_semaphore, #tpu.memory_space<semaphore_mem>> -> memref<1x!tpu.dma_semaphore, #tpu.memory_space<semaphore_mem>>
      %dma_wait3A_834 = tpu.memref_squeeze %dma_wait3A_833 : memref<1x!tpu.dma_semaphore, #tpu.memory_space<semaphore_mem>> -> memref<!tpu.dma_semaphore, #tpu.memory_space<semaphore_mem>>
      tpu.wait_indirect_dma semaphore(%dma_wait3A_834 : memref<!tpu.dma_semaphore, #tpu.memory_space<semaphore_mem>>) src(%dma_wait3A_832 : memref<1000000x64xf32, #tpu.memory_space<hbm>>) dst(%dma_wait3A_826 : memref<400x64xf32, #tpu.memory_space<vmem>>)
      %mul3A_835 = arith.constant 400 : i32
      %mul3A_836 = arith.muli %add3A_765, %mul3A_835 : i32
      %add3A_837 = arith.addi %mul3A_2, %mul3A_836 : i32
      %dma_start3A_838 = arith.constant 0 : i32
      %dma_start3A_839 = arith.constant 0 : i32
      %dma_start3A_840 = arith.constant 0 : i32
      %dma_start3A_841 = arith.constant 0 : i32
      %dma_start3A_842 = tpu.memref_slice %arg6[%dma_start3A_838, %dma_start3A_840, %dma_start3A_841] : memref<4x400x64xf32, #tpu.memory_space<vmem>> -> memref<1x400x64xf32, #tpu.memory_space<vmem>>
      %dma_start3A_843 = tpu.memref_squeeze %dma_start3A_842 : memref<1x400x64xf32, #tpu.memory_space<vmem>> -> memref<400x64xf32, #tpu.memory_space<vmem>>
      %dma_start3A_844 = arith.constant 0 : i32
      %dma_start3A_845 = tpu.memref_slice %arg4[%add3A_837, %dma_start3A_844] : memref<3276800x128xf32, #tpu.memory_space<hbm>> -> memref<400x64xf32, #tpu.memory_space<hbm>>
      %dma_start3A_846 = tpu.memref_slice %arg9[%dma_start3A_839] : memref<4x!tpu.dma_semaphore, #tpu.memory_space<semaphore_mem>> -> memref<1x!tpu.dma_semaphore, #tpu.memory_space<semaphore_mem>>
      %dma_start3A_847 = tpu.memref_squeeze %dma_start3A_846 : memref<1x!tpu.dma_semaphore, #tpu.memory_space<semaphore_mem>> -> memref<!tpu.dma_semaphore, #tpu.memory_space<semaphore_mem>>
      %dma_start3A_848 = arith.constant 0 : i32
      %dma_start3A_849 = tpu.memref_slice %arg4[%add3A_837, %dma_start3A_848] : memref<3276800x128xf32, #tpu.memory_space<hbm>> -> memref<400x64xf32, #tpu.memory_space<hbm>>
      %dma_start3A_850 = arith.constant 0 : i32
      %dma_start3A_851 = arith.constant 0 : i32
      %dma_start3A_852 = tpu.memref_slice %arg6[%dma_start3A_838, %dma_start3A_850, %dma_start3A_851] : memref<4x400x64xf32, #tpu.memory_space<vmem>> -> memref<1x400x64xf32, #tpu.memory_space<vmem>>
      %dma_start3A_853 = tpu.memref_squeeze %dma_start3A_852 : memref<1x400x64xf32, #tpu.memory_space<vmem>> -> memref<400x64xf32, #tpu.memory_space<vmem>>
      tpu.enqueue_dma source(%dma_start3A_853 : memref<400x64xf32, #tpu.memory_space<vmem>>) target(%dma_start3A_849 : memref<400x64xf32, #tpu.memory_space<hbm>>) target_semaphore(%dma_start3A_847 : memref<!tpu.dma_semaphore, #tpu.memory_space<semaphore_mem>>)
      %add3A_854 = arith.constant 2 : i32
      %add3A_855 = arith.addi %add3A_765, %add3A_854 : i32
      %mul3A_856 = arith.constant 400 : i32
      %mul3A_857 = arith.muli %add3A_855, %mul3A_856 : i32
      %add3A_858 = arith.addi %mul3A_2, %mul3A_857 : i32
      %dma_start3A_859 = arith.constant 2 : i32
      %dma_start3A_860 = arith.constant 2 : i32
      %dma_start3A_861 = arith.constant 0 : i32
      %dma_start3A_862 = tpu.memref_slice %arg5[%dma_start3A_859, %dma_start3A_861] : memref<4x400xi32, #tpu.memory_space<vmem>> -> memref<1x400xi32, #tpu.memory_space<vmem>>
      %dma_start3A_863 = tpu.memref_squeeze %dma_start3A_862 : memref<1x400xi32, #tpu.memory_space<vmem>> -> memref<400xi32, #tpu.memory_space<vmem>>
      %dma_start3A_864 = tpu.memref_slice %arg2[%add3A_858] : memref<3276800xi32, #tpu.memory_space<hbm>> -> memref<400xi32, #tpu.memory_space<hbm>>
      %dma_start3A_865 = tpu.memref_slice %arg7[%dma_start3A_860] : memref<4x!tpu.dma_semaphore, #tpu.memory_space<semaphore_mem>> -> memref<1x!tpu.dma_semaphore, #tpu.memory_space<semaphore_mem>>
      %dma_start3A_866 = tpu.memref_squeeze %dma_start3A_865 : memref<1x!tpu.dma_semaphore, #tpu.memory_space<semaphore_mem>> -> memref<!tpu.dma_semaphore, #tpu.memory_space<semaphore_mem>>
      %dma_start3A_867 = arith.constant 0 : i32
      %dma_start3A_868 = tpu.memref_slice %arg5[%dma_start3A_859, %dma_start3A_867] : memref<4x400xi32, #tpu.memory_space<vmem>> -> memref<1x400xi32, #tpu.memory_space<vmem>>
      %dma_start3A_869 = tpu.memref_squeeze %dma_start3A_868 : memref<1x400xi32, #tpu.memory_space<vmem>> -> memref<400xi32, #tpu.memory_space<vmem>>
      %dma_start3A_870 = tpu.memref_slice %arg2[%add3A_858] : memref<3276800xi32, #tpu.memory_space<hbm>> -> memref<400xi32, #tpu.memory_space<hbm>>
      tpu.enqueue_dma source(%dma_start3A_870 : memref<400xi32, #tpu.memory_space<hbm>>) target(%dma_start3A_869 : memref<400xi32, #tpu.memory_space<vmem>>) target_semaphore(%dma_start3A_866 : memref<!tpu.dma_semaphore, #tpu.memory_space<semaphore_mem>>)
      %add3A_871 = arith.constant 1 : i32
      %add3A_872 = arith.addi %mul3A_763, %add3A_871 : i32
      %add3A_873 = arith.constant 1 : i32
      %add3A_874 = arith.addi %add3A_872, %add3A_873 : i32
      %mul3A_875 = arith.constant 400 : i32
      %mul3A_876 = arith.muli %add3A_874, %mul3A_875 : i32
      %add3A_877 = arith.addi %mul3A_2, %mul3A_876 : i32
      %dma_wait3A_878 = arith.constant 2 : i32
      %dma_wait3A_879 = arith.constant 2 : i32
      %dma_wait3A_880 = arith.constant 0 : i32
      %dma_wait3A_881 = tpu.memref_slice %arg5[%dma_wait3A_878, %dma_wait3A_880] : memref<4x400xi32, #tpu.memory_space<vmem>> -> memref<1x400xi32, #tpu.memory_space<vmem>>
      %dma_wait3A_882 = tpu.memref_squeeze %dma_wait3A_881 : memref<1x400xi32, #tpu.memory_space<vmem>> -> memref<400xi32, #tpu.memory_space<vmem>>
      %dma_wait3A_883 = tpu.memref_slice %arg2[%add3A_877] : memref<3276800xi32, #tpu.memory_space<hbm>> -> memref<400xi32, #tpu.memory_space<hbm>>
      %dma_wait3A_884 = tpu.memref_slice %arg7[%dma_wait3A_879] : memref<4x!tpu.dma_semaphore, #tpu.memory_space<semaphore_mem>> -> memref<1x!tpu.dma_semaphore, #tpu.memory_space<semaphore_mem>>
      %dma_wait3A_885 = tpu.memref_squeeze %dma_wait3A_884 : memref<1x!tpu.dma_semaphore, #tpu.memory_space<semaphore_mem>> -> memref<!tpu.dma_semaphore, #tpu.memory_space<semaphore_mem>>
      %dma_wait3A_886 = arith.constant 0 : i32
      %dma_wait3A_887 = tpu.memref_slice %arg5[%dma_wait3A_878, %dma_wait3A_886] : memref<4x400xi32, #tpu.memory_space<vmem>> -> memref<1x400xi32, #tpu.memory_space<vmem>>
      %dma_wait3A_888 = tpu.memref_squeeze %dma_wait3A_887 : memref<1x400xi32, #tpu.memory_space<vmem>> -> memref<400xi32, #tpu.memory_space<vmem>>
      %dma_wait3A_889 = tpu.memref_slice %arg2[%add3A_877] : memref<3276800xi32, #tpu.memory_space<hbm>> -> memref<400xi32, #tpu.memory_space<hbm>>
      tpu.wait_dma2 semaphore(%dma_wait3A_885 : memref<!tpu.dma_semaphore, #tpu.memory_space<semaphore_mem>>) src(%dma_wait3A_889 : memref<400xi32, #tpu.memory_space<hbm>>) dst(%dma_wait3A_888 : memref<400xi32, #tpu.memory_space<vmem>>)
      %add3A_890 = arith.constant 1 : i32
      %add3A_891 = arith.addi %add3A_872, %add3A_890 : i32
      %sub3A_892 = arith.constant 4 : i32
      %sub3A_893 = arith.subi %add3A_891, %sub3A_892 : i32
      %mul3A_894 = arith.constant 400 : i32
      %mul3A_895 = arith.muli %sub3A_893, %mul3A_894 : i32
      %add3A_896 = arith.addi %mul3A_2, %mul3A_895 : i32
      %dma_wait3A_897 = arith.constant 2 : i32
      %dma_wait3A_898 = arith.constant 2 : i32
      %dma_wait3A_899 = arith.constant 0 : i32
      %dma_wait3A_900 = arith.constant 0 : i32
      %dma_wait3A_901 = tpu.memref_slice %arg6[%dma_wait3A_897, %dma_wait3A_899, %dma_wait3A_900] : memref<4x400x64xf32, #tpu.memory_space<vmem>> -> memref<1x400x64xf32, #tpu.memory_space<vmem>>
      %dma_wait3A_902 = tpu.memref_squeeze %dma_wait3A_901 : memref<1x400x64xf32, #tpu.memory_space<vmem>> -> memref<400x64xf32, #tpu.memory_space<vmem>>
      %dma_wait3A_903 = arith.constant 0 : i32
      %dma_wait3A_904 = tpu.memref_slice %arg4[%add3A_896, %dma_wait3A_903] : memref<3276800x128xf32, #tpu.memory_space<hbm>> -> memref<400x64xf32, #tpu.memory_space<hbm>>
      %dma_wait3A_905 = tpu.memref_slice %arg9[%dma_wait3A_898] : memref<4x!tpu.dma_semaphore, #tpu.memory_space<semaphore_mem>> -> memref<1x!tpu.dma_semaphore, #tpu.memory_space<semaphore_mem>>
      %dma_wait3A_906 = tpu.memref_squeeze %dma_wait3A_905 : memref<1x!tpu.dma_semaphore, #tpu.memory_space<semaphore_mem>> -> memref<!tpu.dma_semaphore, #tpu.memory_space<semaphore_mem>>
      %dma_wait3A_907 = arith.constant 0 : i32
      %dma_wait3A_908 = tpu.memref_slice %arg4[%add3A_896, %dma_wait3A_907] : memref<3276800x128xf32, #tpu.memory_space<hbm>> -> memref<400x64xf32, #tpu.memory_space<hbm>>
      %dma_wait3A_909 = arith.constant 0 : i32
      %dma_wait3A_910 = arith.constant 0 : i32
      %dma_wait3A_911 = tpu.memref_slice %arg6[%dma_wait3A_897, %dma_wait3A_909, %dma_wait3A_910] : memref<4x400x64xf32, #tpu.memory_space<vmem>> -> memref<1x400x64xf32, #tpu.memory_space<vmem>>
      %dma_wait3A_912 = tpu.memref_squeeze %dma_wait3A_911 : memref<1x400x64xf32, #tpu.memory_space<vmem>> -> memref<400x64xf32, #tpu.memory_space<vmem>>
      tpu.wait_dma2 semaphore(%dma_wait3A_906 : memref<!tpu.dma_semaphore, #tpu.memory_space<semaphore_mem>>) src(%dma_wait3A_912 : memref<400x64xf32, #tpu.memory_space<vmem>>) dst(%dma_wait3A_908 : memref<400x64xf32, #tpu.memory_space<hbm>>)
      %dma_start3A_913 = arith.constant 2 : i32
      %dma_start3A_914 = arith.constant 2 : i32
      %dma_start3A_915 = arith.constant 2 : i32
      %dma_start3A_916 = arith.constant 0 : i32
      %dma_start3A_917 = arith.constant 0 : i32
      %dma_start3A_918 = tpu.memref_slice %arg6[%dma_start3A_914, %dma_start3A_916, %dma_start3A_917] : memref<4x400x64xf32, #tpu.memory_space<vmem>> -> memref<1x400x64xf32, #tpu.memory_space<vmem>>
      %dma_start3A_919 = tpu.memref_squeeze %dma_start3A_918 : memref<1x400x64xf32, #tpu.memory_space<vmem>> -> memref<400x64xf32, #tpu.memory_space<vmem>>
      %dma_start3A_920 = arith.constant 0 : i32
      %dma_start3A_921 = tpu.memref_slice %arg5[%dma_start3A_913, %dma_start3A_920] : memref<4x400xi32, #tpu.memory_space<vmem>> -> memref<1x400xi32, #tpu.memory_space<vmem>>
      %dma_start3A_922 = tpu.memref_squeeze %dma_start3A_921 : memref<1x400xi32, #tpu.memory_space<vmem>> -> memref<400xi32, #tpu.memory_space<vmem>>
      %dma_start3A_923 = arith.constant 0 : i32
      %dma_start3A_924 = arith.constant 0 : i32
      %dma_start3A_925 = tpu.memref_slice %arg3[%dma_start3A_923, %dma_start3A_924] : memref<1000000x64xf32, #tpu.memory_space<hbm>> -> memref<1000000x64xf32, #tpu.memory_space<hbm>>
      %dma_start3A_926 = tpu.memref_slice %arg8[%dma_start3A_915] : memref<4x!tpu.dma_semaphore, #tpu.memory_space<semaphore_mem>> -> memref<1x!tpu.dma_semaphore, #tpu.memory_space<semaphore_mem>>
      %dma_start3A_927 = tpu.memref_squeeze %dma_start3A_926 : memref<1x!tpu.dma_semaphore, #tpu.memory_space<semaphore_mem>> -> memref<!tpu.dma_semaphore, #tpu.memory_space<semaphore_mem>>
      tpu.enqueue_indirect_dma source(%dma_start3A_925 : memref<1000000x64xf32, #tpu.memory_space<hbm>>) target(%dma_start3A_919 : memref<400x64xf32, #tpu.memory_space<vmem>>) offsets(%dma_start3A_922 : memref<400xi32, #tpu.memory_space<vmem>>) semaphore(%dma_start3A_927 : memref<!tpu.dma_semaphore, #tpu.memory_space<semaphore_mem>>)
      %dma_wait3A_928 = arith.constant 1 : i32
      %dma_wait3A_929 = arith.constant 1 : i32
      %dma_wait3A_930 = arith.constant 1 : i32
      %dma_wait3A_931 = arith.constant 0 : i32
      %dma_wait3A_932 = arith.constant 0 : i32
      %dma_wait3A_933 = tpu.memref_slice %arg6[%dma_wait3A_929, %dma_wait3A_931, %dma_wait3A_932] : memref<4x400x64xf32, #tpu.memory_space<vmem>> -> memref<1x400x64xf32, #tpu.memory_space<vmem>>
      %dma_wait3A_934 = tpu.memref_squeeze %dma_wait3A_933 : memref<1x400x64xf32, #tpu.memory_space<vmem>> -> memref<400x64xf32, #tpu.memory_space<vmem>>
      %dma_wait3A_935 = arith.constant 0 : i32
      %dma_wait3A_936 = tpu.memref_slice %arg5[%dma_wait3A_928, %dma_wait3A_935] : memref<4x400xi32, #tpu.memory_space<vmem>> -> memref<1x400xi32, #tpu.memory_space<vmem>>
      %dma_wait3A_937 = tpu.memref_squeeze %dma_wait3A_936 : memref<1x400xi32, #tpu.memory_space<vmem>> -> memref<400xi32, #tpu.memory_space<vmem>>
      %dma_wait3A_938 = arith.constant 0 : i32
      %dma_wait3A_939 = arith.constant 0 : i32
      %dma_wait3A_940 = tpu.memref_slice %arg3[%dma_wait3A_938, %dma_wait3A_939] : memref<1000000x64xf32, #tpu.memory_space<hbm>> -> memref<1000000x64xf32, #tpu.memory_space<hbm>>
      %dma_wait3A_941 = tpu.memref_slice %arg8[%dma_wait3A_930] : memref<4x!tpu.dma_semaphore, #tpu.memory_space<semaphore_mem>> -> memref<1x!tpu.dma_semaphore, #tpu.memory_space<semaphore_mem>>
      %dma_wait3A_942 = tpu.memref_squeeze %dma_wait3A_941 : memref<1x!tpu.dma_semaphore, #tpu.memory_space<semaphore_mem>> -> memref<!tpu.dma_semaphore, #tpu.memory_space<semaphore_mem>>
      tpu.wait_indirect_dma semaphore(%dma_wait3A_942 : memref<!tpu.dma_semaphore, #tpu.memory_space<semaphore_mem>>) src(%dma_wait3A_940 : memref<1000000x64xf32, #tpu.memory_space<hbm>>) dst(%dma_wait3A_934 : memref<400x64xf32, #tpu.memory_space<vmem>>)
      %mul3A_943 = arith.constant 400 : i32
      %mul3A_944 = arith.muli %add3A_872, %mul3A_943 : i32
      %add3A_945 = arith.addi %mul3A_2, %mul3A_944 : i32
      %dma_start3A_946 = arith.constant 1 : i32
      %dma_start3A_947 = arith.constant 1 : i32
      %dma_start3A_948 = arith.constant 0 : i32
      %dma_start3A_949 = arith.constant 0 : i32
      %dma_start3A_950 = tpu.memref_slice %arg6[%dma_start3A_946, %dma_start3A_948, %dma_start3A_949] : memref<4x400x64xf32, #tpu.memory_space<vmem>> -> memref<1x400x64xf32, #tpu.memory_space<vmem>>
      %dma_start3A_951 = tpu.memref_squeeze %dma_start3A_950 : memref<1x400x64xf32, #tpu.memory_space<vmem>> -> memref<400x64xf32, #tpu.memory_space<vmem>>
      %dma_start3A_952 = arith.constant 0 : i32
      %dma_start3A_953 = tpu.memref_slice %arg4[%add3A_945, %dma_start3A_952] : memref<3276800x128xf32, #tpu.memory_space<hbm>> -> memref<400x64xf32, #tpu.memory_space<hbm>>
      %dma_start3A_954 = tpu.memref_slice %arg9[%dma_start3A_947] : memref<4x!tpu.dma_semaphore, #tpu.memory_space<semaphore_mem>> -> memref<1x!tpu.dma_semaphore, #tpu.memory_space<semaphore_mem>>
      %dma_start3A_955 = tpu.memref_squeeze %dma_start3A_954 : memref<1x!tpu.dma_semaphore, #tpu.memory_space<semaphore_mem>> -> memref<!tpu.dma_semaphore, #tpu.memory_space<semaphore_mem>>
      %dma_start3A_956 = arith.constant 0 : i32
      %dma_start3A_957 = tpu.memref_slice %arg4[%add3A_945, %dma_start3A_956] : memref<3276800x128xf32, #tpu.memory_space<hbm>> -> memref<400x64xf32, #tpu.memory_space<hbm>>
      %dma_start3A_958 = arith.constant 0 : i32
      %dma_start3A_959 = arith.constant 0 : i32
      %dma_start3A_960 = tpu.memref_slice %arg6[%dma_start3A_946, %dma_start3A_958, %dma_start3A_959] : memref<4x400x64xf32, #tpu.memory_space<vmem>> -> memref<1x400x64xf32, #tpu.memory_space<vmem>>
      %dma_start3A_961 = tpu.memref_squeeze %dma_start3A_960 : memref<1x400x64xf32, #tpu.memory_space<vmem>> -> memref<400x64xf32, #tpu.memory_space<vmem>>
      tpu.enqueue_dma source(%dma_start3A_961 : memref<400x64xf32, #tpu.memory_space<vmem>>) target(%dma_start3A_957 : memref<400x64xf32, #tpu.memory_space<hbm>>) target_semaphore(%dma_start3A_955 : memref<!tpu.dma_semaphore, #tpu.memory_space<semaphore_mem>>)
      %add3A_962 = arith.constant 2 : i32
      %add3A_963 = arith.addi %add3A_872, %add3A_962 : i32
      %mul3A_964 = arith.constant 400 : i32
      %mul3A_965 = arith.muli %add3A_963, %mul3A_964 : i32
      %add3A_966 = arith.addi %mul3A_2, %mul3A_965 : i32
      %dma_start3A_967 = arith.constant 3 : i32
      %dma_start3A_968 = arith.constant 3 : i32
      %dma_start3A_969 = arith.constant 0 : i32
      %dma_start3A_970 = tpu.memref_slice %arg5[%dma_start3A_967, %dma_start3A_969] : memref<4x400xi32, #tpu.memory_space<vmem>> -> memref<1x400xi32, #tpu.memory_space<vmem>>
      %dma_start3A_971 = tpu.memref_squeeze %dma_start3A_970 : memref<1x400xi32, #tpu.memory_space<vmem>> -> memref<400xi32, #tpu.memory_space<vmem>>
      %dma_start3A_972 = tpu.memref_slice %arg2[%add3A_966] : memref<3276800xi32, #tpu.memory_space<hbm>> -> memref<400xi32, #tpu.memory_space<hbm>>
      %dma_start3A_973 = tpu.memref_slice %arg7[%dma_start3A_968] : memref<4x!tpu.dma_semaphore, #tpu.memory_space<semaphore_mem>> -> memref<1x!tpu.dma_semaphore, #tpu.memory_space<semaphore_mem>>
      %dma_start3A_974 = tpu.memref_squeeze %dma_start3A_973 : memref<1x!tpu.dma_semaphore, #tpu.memory_space<semaphore_mem>> -> memref<!tpu.dma_semaphore, #tpu.memory_space<semaphore_mem>>
      %dma_start3A_975 = arith.constant 0 : i32
      %dma_start3A_976 = tpu.memref_slice %arg5[%dma_start3A_967, %dma_start3A_975] : memref<4x400xi32, #tpu.memory_space<vmem>> -> memref<1x400xi32, #tpu.memory_space<vmem>>
      %dma_start3A_977 = tpu.memref_squeeze %dma_start3A_976 : memref<1x400xi32, #tpu.memory_space<vmem>> -> memref<400xi32, #tpu.memory_space<vmem>>
      %dma_start3A_978 = tpu.memref_slice %arg2[%add3A_966] : memref<3276800xi32, #tpu.memory_space<hbm>> -> memref<400xi32, #tpu.memory_space<hbm>>
      tpu.enqueue_dma source(%dma_start3A_978 : memref<400xi32, #tpu.memory_space<hbm>>) target(%dma_start3A_977 : memref<400xi32, #tpu.memory_space<vmem>>) target_semaphore(%dma_start3A_974 : memref<!tpu.dma_semaphore, #tpu.memory_space<semaphore_mem>>)
      %add3A_979 = arith.constant 2 : i32
      %add3A_980 = arith.addi %mul3A_763, %add3A_979 : i32
      %add3A_981 = arith.constant 1 : i32
      %add3A_982 = arith.addi %add3A_980, %add3A_981 : i32
      %mul3A_983 = arith.constant 400 : i32
      %mul3A_984 = arith.muli %add3A_982, %mul3A_983 : i32
      %add3A_985 = arith.addi %mul3A_2, %mul3A_984 : i32
      %dma_wait3A_986 = arith.constant 3 : i32
      %dma_wait3A_987 = arith.constant 3 : i32
      %dma_wait3A_988 = arith.constant 0 : i32
      %dma_wait3A_989 = tpu.memref_slice %arg5[%dma_wait3A_986, %dma_wait3A_988] : memref<4x400xi32, #tpu.memory_space<vmem>> -> memref<1x400xi32, #tpu.memory_space<vmem>>
      %dma_wait3A_990 = tpu.memref_squeeze %dma_wait3A_989 : memref<1x400xi32, #tpu.memory_space<vmem>> -> memref<400xi32, #tpu.memory_space<vmem>>
      %dma_wait3A_991 = tpu.memref_slice %arg2[%add3A_985] : memref<3276800xi32, #tpu.memory_space<hbm>> -> memref<400xi32, #tpu.memory_space<hbm>>
      %dma_wait3A_992 = tpu.memref_slice %arg7[%dma_wait3A_987] : memref<4x!tpu.dma_semaphore, #tpu.memory_space<semaphore_mem>> -> memref<1x!tpu.dma_semaphore, #tpu.memory_space<semaphore_mem>>
      %dma_wait3A_993 = tpu.memref_squeeze %dma_wait3A_992 : memref<1x!tpu.dma_semaphore, #tpu.memory_space<semaphore_mem>> -> memref<!tpu.dma_semaphore, #tpu.memory_space<semaphore_mem>>
      %dma_wait3A_994 = arith.constant 0 : i32
      %dma_wait3A_995 = tpu.memref_slice %arg5[%dma_wait3A_986, %dma_wait3A_994] : memref<4x400xi32, #tpu.memory_space<vmem>> -> memref<1x400xi32, #tpu.memory_space<vmem>>
      %dma_wait3A_996 = tpu.memref_squeeze %dma_wait3A_995 : memref<1x400xi32, #tpu.memory_space<vmem>> -> memref<400xi32, #tpu.memory_space<vmem>>
      %dma_wait3A_997 = tpu.memref_slice %arg2[%add3A_985] : memref<3276800xi32, #tpu.memory_space<hbm>> -> memref<400xi32, #tpu.memory_space<hbm>>
      tpu.wait_dma2 semaphore(%dma_wait3A_993 : memref<!tpu.dma_semaphore, #tpu.memory_space<semaphore_mem>>) src(%dma_wait3A_997 : memref<400xi32, #tpu.memory_space<hbm>>) dst(%dma_wait3A_996 : memref<400xi32, #tpu.memory_space<vmem>>)
      %add3A_998 = arith.constant 1 : i32
      %add3A_999 = arith.addi %add3A_980, %add3A_998 : i32
      %sub3A_1000 = arith.constant 4 : i32
      %sub3A_1001 = arith.subi %add3A_999, %sub3A_1000 : i32
      %mul3A_1002 = arith.constant 400 : i32
      %mul3A_1003 = arith.muli %sub3A_1001, %mul3A_1002 : i32
      %add3A_1004 = arith.addi %mul3A_2, %mul3A_1003 : i32
      %dma_wait3A_1005 = arith.constant 3 : i32
      %dma_wait3A_1006 = arith.constant 3 : i32
      %dma_wait3A_1007 = arith.constant 0 : i32
      %dma_wait3A_1008 = arith.constant 0 : i32
      %dma_wait3A_1009 = tpu.memref_slice %arg6[%dma_wait3A_1005, %dma_wait3A_1007, %dma_wait3A_1008] : memref<4x400x64xf32, #tpu.memory_space<vmem>> -> memref<1x400x64xf32, #tpu.memory_space<vmem>>
      %dma_wait3A_1010 = tpu.memref_squeeze %dma_wait3A_1009 : memref<1x400x64xf32, #tpu.memory_space<vmem>> -> memref<400x64xf32, #tpu.memory_space<vmem>>
      %dma_wait3A_1011 = arith.constant 0 : i32
      %dma_wait3A_1012 = tpu.memref_slice %arg4[%add3A_1004, %dma_wait3A_1011] : memref<3276800x128xf32, #tpu.memory_space<hbm>> -> memref<400x64xf32, #tpu.memory_space<hbm>>
      %dma_wait3A_1013 = tpu.memref_slice %arg9[%dma_wait3A_1006] : memref<4x!tpu.dma_semaphore, #tpu.memory_space<semaphore_mem>> -> memref<1x!tpu.dma_semaphore, #tpu.memory_space<semaphore_mem>>
      %dma_wait3A_1014 = tpu.memref_squeeze %dma_wait3A_1013 : memref<1x!tpu.dma_semaphore, #tpu.memory_space<semaphore_mem>> -> memref<!tpu.dma_semaphore, #tpu.memory_space<semaphore_mem>>
      %dma_wait3A_1015 = arith.constant 0 : i32
      %dma_wait3A_1016 = tpu.memref_slice %arg4[%add3A_1004, %dma_wait3A_1015] : memref<3276800x128xf32, #tpu.memory_space<hbm>> -> memref<400x64xf32, #tpu.memory_space<hbm>>
      %dma_wait3A_1017 = arith.constant 0 : i32
      %dma_wait3A_1018 = arith.constant 0 : i32
      %dma_wait3A_1019 = tpu.memref_slice %arg6[%dma_wait3A_1005, %dma_wait3A_1017, %dma_wait3A_1018] : memref<4x400x64xf32, #tpu.memory_space<vmem>> -> memref<1x400x64xf32, #tpu.memory_space<vmem>>
      %dma_wait3A_1020 = tpu.memref_squeeze %dma_wait3A_1019 : memref<1x400x64xf32, #tpu.memory_space<vmem>> -> memref<400x64xf32, #tpu.memory_space<vmem>>
      tpu.wait_dma2 semaphore(%dma_wait3A_1014 : memref<!tpu.dma_semaphore, #tpu.memory_space<semaphore_mem>>) src(%dma_wait3A_1020 : memref<400x64xf32, #tpu.memory_space<vmem>>) dst(%dma_wait3A_1016 : memref<400x64xf32, #tpu.memory_space<hbm>>)
      %dma_start3A_1021 = arith.constant 3 : i32
      %dma_start3A_1022 = arith.constant 3 : i32
      %dma_start3A_1023 = arith.constant 3 : i32
      %dma_start3A_1024 = arith.constant 0 : i32
      %dma_start3A_1025 = arith.constant 0 : i32
      %dma_start3A_1026 = tpu.memref_slice %arg6[%dma_start3A_1022, %dma_start3A_1024, %dma_start3A_1025] : memref<4x400x64xf32, #tpu.memory_space<vmem>> -> memref<1x400x64xf32, #tpu.memory_space<vmem>>
      %dma_start3A_1027 = tpu.memref_squeeze %dma_start3A_1026 : memref<1x400x64xf32, #tpu.memory_space<vmem>> -> memref<400x64xf32, #tpu.memory_space<vmem>>
      %dma_start3A_1028 = arith.constant 0 : i32
      %dma_start3A_1029 = tpu.memref_slice %arg5[%dma_start3A_1021, %dma_start3A_1028] : memref<4x400xi32, #tpu.memory_space<vmem>> -> memref<1x400xi32, #tpu.memory_space<vmem>>
      %dma_start3A_1030 = tpu.memref_squeeze %dma_start3A_1029 : memref<1x400xi32, #tpu.memory_space<vmem>> -> memref<400xi32, #tpu.memory_space<vmem>>
      %dma_start3A_1031 = arith.constant 0 : i32
      %dma_start3A_1032 = arith.constant 0 : i32
      %dma_start3A_1033 = tpu.memref_slice %arg3[%dma_start3A_1031, %dma_start3A_1032] : memref<1000000x64xf32, #tpu.memory_space<hbm>> -> memref<1000000x64xf32, #tpu.memory_space<hbm>>
      %dma_start3A_1034 = tpu.memref_slice %arg8[%dma_start3A_1023] : memref<4x!tpu.dma_semaphore, #tpu.memory_space<semaphore_mem>> -> memref<1x!tpu.dma_semaphore, #tpu.memory_space<semaphore_mem>>
      %dma_start3A_1035 = tpu.memref_squeeze %dma_start3A_1034 : memref<1x!tpu.dma_semaphore, #tpu.memory_space<semaphore_mem>> -> memref<!tpu.dma_semaphore, #tpu.memory_space<semaphore_mem>>
      tpu.enqueue_indirect_dma source(%dma_start3A_1033 : memref<1000000x64xf32, #tpu.memory_space<hbm>>) target(%dma_start3A_1027 : memref<400x64xf32, #tpu.memory_space<vmem>>) offsets(%dma_start3A_1030 : memref<400xi32, #tpu.memory_space<vmem>>) semaphore(%dma_start3A_1035 : memref<!tpu.dma_semaphore, #tpu.memory_space<semaphore_mem>>)
      %dma_wait3A_1036 = arith.constant 2 : i32
      %dma_wait3A_1037 = arith.constant 2 : i32
      %dma_wait3A_1038 = arith.constant 2 : i32
      %dma_wait3A_1039 = arith.constant 0 : i32
      %dma_wait3A_1040 = arith.constant 0 : i32
      %dma_wait3A_1041 = tpu.memref_slice %arg6[%dma_wait3A_1037, %dma_wait3A_1039, %dma_wait3A_1040] : memref<4x400x64xf32, #tpu.memory_space<vmem>> -> memref<1x400x64xf32, #tpu.memory_space<vmem>>
      %dma_wait3A_1042 = tpu.memref_squeeze %dma_wait3A_1041 : memref<1x400x64xf32, #tpu.memory_space<vmem>> -> memref<400x64xf32, #tpu.memory_space<vmem>>
      %dma_wait3A_1043 = arith.constant 0 : i32
      %dma_wait3A_1044 = tpu.memref_slice %arg5[%dma_wait3A_1036, %dma_wait3A_1043] : memref<4x400xi32, #tpu.memory_space<vmem>> -> memref<1x400xi32, #tpu.memory_space<vmem>>
      %dma_wait3A_1045 = tpu.memref_squeeze %dma_wait3A_1044 : memref<1x400xi32, #tpu.memory_space<vmem>> -> memref<400xi32, #tpu.memory_space<vmem>>
      %dma_wait3A_1046 = arith.constant 0 : i32
      %dma_wait3A_1047 = arith.constant 0 : i32
      %dma_wait3A_1048 = tpu.memref_slice %arg3[%dma_wait3A_1046, %dma_wait3A_1047] : memref<1000000x64xf32, #tpu.memory_space<hbm>> -> memref<1000000x64xf32, #tpu.memory_space<hbm>>
      %dma_wait3A_1049 = tpu.memref_slice %arg8[%dma_wait3A_1038] : memref<4x!tpu.dma_semaphore, #tpu.memory_space<semaphore_mem>> -> memref<1x!tpu.dma_semaphore, #tpu.memory_space<semaphore_mem>>
      %dma_wait3A_1050 = tpu.memref_squeeze %dma_wait3A_1049 : memref<1x!tpu.dma_semaphore, #tpu.memory_space<semaphore_mem>> -> memref<!tpu.dma_semaphore, #tpu.memory_space<semaphore_mem>>
      tpu.wait_indirect_dma semaphore(%dma_wait3A_1050 : memref<!tpu.dma_semaphore, #tpu.memory_space<semaphore_mem>>) src(%dma_wait3A_1048 : memref<1000000x64xf32, #tpu.memory_space<hbm>>) dst(%dma_wait3A_1042 : memref<400x64xf32, #tpu.memory_space<vmem>>)
      %mul3A_1051 = arith.constant 400 : i32
      %mul3A_1052 = arith.muli %add3A_980, %mul3A_1051 : i32
      %add3A_1053 = arith.addi %mul3A_2, %mul3A_1052 : i32
      %dma_start3A_1054 = arith.constant 2 : i32
      %dma_start3A_1055 = arith.constant 2 : i32
      %dma_start3A_1056 = arith.constant 0 : i32
      %dma_start3A_1057 = arith.constant 0 : i32
      %dma_start3A_1058 = tpu.memref_slice %arg6[%dma_start3A_1054, %dma_start3A_1056, %dma_start3A_1057] : memref<4x400x64xf32, #tpu.memory_space<vmem>> -> memref<1x400x64xf32, #tpu.memory_space<vmem>>
      %dma_start3A_1059 = tpu.memref_squeeze %dma_start3A_1058 : memref<1x400x64xf32, #tpu.memory_space<vmem>> -> memref<400x64xf32, #tpu.memory_space<vmem>>
      %dma_start3A_1060 = arith.constant 0 : i32
      %dma_start3A_1061 = tpu.memref_slice %arg4[%add3A_1053, %dma_start3A_1060] : memref<3276800x128xf32, #tpu.memory_space<hbm>> -> memref<400x64xf32, #tpu.memory_space<hbm>>
      %dma_start3A_1062 = tpu.memref_slice %arg9[%dma_start3A_1055] : memref<4x!tpu.dma_semaphore, #tpu.memory_space<semaphore_mem>> -> memref<1x!tpu.dma_semaphore, #tpu.memory_space<semaphore_mem>>
      %dma_start3A_1063 = tpu.memref_squeeze %dma_start3A_1062 : memref<1x!tpu.dma_semaphore, #tpu.memory_space<semaphore_mem>> -> memref<!tpu.dma_semaphore, #tpu.memory_space<semaphore_mem>>
      %dma_start3A_1064 = arith.constant 0 : i32
      %dma_start3A_1065 = tpu.memref_slice %arg4[%add3A_1053, %dma_start3A_1064] : memref<3276800x128xf32, #tpu.memory_space<hbm>> -> memref<400x64xf32, #tpu.memory_space<hbm>>
      %dma_start3A_1066 = arith.constant 0 : i32
      %dma_start3A_1067 = arith.constant 0 : i32
      %dma_start3A_1068 = tpu.memref_slice %arg6[%dma_start3A_1054, %dma_start3A_1066, %dma_start3A_1067] : memref<4x400x64xf32, #tpu.memory_space<vmem>> -> memref<1x400x64xf32, #tpu.memory_space<vmem>>
      %dma_start3A_1069 = tpu.memref_squeeze %dma_start3A_1068 : memref<1x400x64xf32, #tpu.memory_space<vmem>> -> memref<400x64xf32, #tpu.memory_space<vmem>>
      tpu.enqueue_dma source(%dma_start3A_1069 : memref<400x64xf32, #tpu.memory_space<vmem>>) target(%dma_start3A_1065 : memref<400x64xf32, #tpu.memory_space<hbm>>) target_semaphore(%dma_start3A_1063 : memref<!tpu.dma_semaphore, #tpu.memory_space<semaphore_mem>>)
      %add3A_1070 = arith.constant 2 : i32
      %add3A_1071 = arith.addi %add3A_980, %add3A_1070 : i32
      %mul3A_1072 = arith.constant 400 : i32
      %mul3A_1073 = arith.muli %add3A_1071, %mul3A_1072 : i32
      %add3A_1074 = arith.addi %mul3A_2, %mul3A_1073 : i32
      %dma_start3A_1075 = arith.constant 0 : i32
      %dma_start3A_1076 = arith.constant 0 : i32
      %dma_start3A_1077 = arith.constant 0 : i32
      %dma_start3A_1078 = tpu.memref_slice %arg5[%dma_start3A_1075, %dma_start3A_1077] : memref<4x400xi32, #tpu.memory_space<vmem>> -> memref<1x400xi32, #tpu.memory_space<vmem>>
      %dma_start3A_1079 = tpu.memref_squeeze %dma_start3A_1078 : memref<1x400xi32, #tpu.memory_space<vmem>> -> memref<400xi32, #tpu.memory_space<vmem>>
      %dma_start3A_1080 = tpu.memref_slice %arg2[%add3A_1074] : memref<3276800xi32, #tpu.memory_space<hbm>> -> memref<400xi32, #tpu.memory_space<hbm>>
      %dma_start3A_1081 = tpu.memref_slice %arg7[%dma_start3A_1076] : memref<4x!tpu.dma_semaphore, #tpu.memory_space<semaphore_mem>> -> memref<1x!tpu.dma_semaphore, #tpu.memory_space<semaphore_mem>>
      %dma_start3A_1082 = tpu.memref_squeeze %dma_start3A_1081 : memref<1x!tpu.dma_semaphore, #tpu.memory_space<semaphore_mem>> -> memref<!tpu.dma_semaphore, #tpu.memory_space<semaphore_mem>>
      %dma_start3A_1083 = arith.constant 0 : i32
      %dma_start3A_1084 = tpu.memref_slice %arg5[%dma_start3A_1075, %dma_start3A_1083] : memref<4x400xi32, #tpu.memory_space<vmem>> -> memref<1x400xi32, #tpu.memory_space<vmem>>
      %dma_start3A_1085 = tpu.memref_squeeze %dma_start3A_1084 : memref<1x400xi32, #tpu.memory_space<vmem>> -> memref<400xi32, #tpu.memory_space<vmem>>
      %dma_start3A_1086 = tpu.memref_slice %arg2[%add3A_1074] : memref<3276800xi32, #tpu.memory_space<hbm>> -> memref<400xi32, #tpu.memory_space<hbm>>
      tpu.enqueue_dma source(%dma_start3A_1086 : memref<400xi32, #tpu.memory_space<hbm>>) target(%dma_start3A_1085 : memref<400xi32, #tpu.memory_space<vmem>>) target_semaphore(%dma_start3A_1082 : memref<!tpu.dma_semaphore, #tpu.memory_space<semaphore_mem>>)
      %add3A_1087 = arith.constant 3 : i32
      %add3A_1088 = arith.addi %mul3A_763, %add3A_1087 : i32
      %add3A_1089 = arith.constant 1 : i32
      %add3A_1090 = arith.addi %add3A_1088, %add3A_1089 : i32
      %mul3A_1091 = arith.constant 400 : i32
      %mul3A_1092 = arith.muli %add3A_1090, %mul3A_1091 : i32
      %add3A_1093 = arith.addi %mul3A_2, %mul3A_1092 : i32
      %dma_wait3A_1094 = arith.constant 0 : i32
      %dma_wait3A_1095 = arith.constant 0 : i32
      %dma_wait3A_1096 = arith.constant 0 : i32
      %dma_wait3A_1097 = tpu.memref_slice %arg5[%dma_wait3A_1094, %dma_wait3A_1096] : memref<4x400xi32, #tpu.memory_space<vmem>> -> memref<1x400xi32, #tpu.memory_space<vmem>>
      %dma_wait3A_1098 = tpu.memref_squeeze %dma_wait3A_1097 : memref<1x400xi32, #tpu.memory_space<vmem>> -> memref<400xi32, #tpu.memory_space<vmem>>
      %dma_wait3A_1099 = tpu.memref_slice %arg2[%add3A_1093] : memref<3276800xi32, #tpu.memory_space<hbm>> -> memref<400xi32, #tpu.memory_space<hbm>>
      %dma_wait3A_1100 = tpu.memref_slice %arg7[%dma_wait3A_1095] : memref<4x!tpu.dma_semaphore, #tpu.memory_space<semaphore_mem>> -> memref<1x!tpu.dma_semaphore, #tpu.memory_space<semaphore_mem>>
      %dma_wait3A_1101 = tpu.memref_squeeze %dma_wait3A_1100 : memref<1x!tpu.dma_semaphore, #tpu.memory_space<semaphore_mem>> -> memref<!tpu.dma_semaphore, #tpu.memory_space<semaphore_mem>>
      %dma_wait3A_1102 = arith.constant 0 : i32
      %dma_wait3A_1103 = tpu.memref_slice %arg5[%dma_wait3A_1094, %dma_wait3A_1102] : memref<4x400xi32, #tpu.memory_space<vmem>> -> memref<1x400xi32, #tpu.memory_space<vmem>>
      %dma_wait3A_1104 = tpu.memref_squeeze %dma_wait3A_1103 : memref<1x400xi32, #tpu.memory_space<vmem>> -> memref<400xi32, #tpu.memory_space<vmem>>
      %dma_wait3A_1105 = tpu.memref_slice %arg2[%add3A_1093] : memref<3276800xi32, #tpu.memory_space<hbm>> -> memref<400xi32, #tpu.memory_space<hbm>>
      tpu.wait_dma2 semaphore(%dma_wait3A_1101 : memref<!tpu.dma_semaphore, #tpu.memory_space<semaphore_mem>>) src(%dma_wait3A_1105 : memref<400xi32, #tpu.memory_space<hbm>>) dst(%dma_wait3A_1104 : memref<400xi32, #tpu.memory_space<vmem>>)
      %add3A_1106 = arith.constant 1 : i32
      %add3A_1107 = arith.addi %add3A_1088, %add3A_1106 : i32
      %sub3A_1108 = arith.constant 4 : i32
      %sub3A_1109 = arith.subi %add3A_1107, %sub3A_1108 : i32
      %mul3A_1110 = arith.constant 400 : i32
      %mul3A_1111 = arith.muli %sub3A_1109, %mul3A_1110 : i32
      %add3A_1112 = arith.addi %mul3A_2, %mul3A_1111 : i32
      %dma_wait3A_1113 = arith.constant 0 : i32
      %dma_wait3A_1114 = arith.constant 0 : i32
      %dma_wait3A_1115 = arith.constant 0 : i32
      %dma_wait3A_1116 = arith.constant 0 : i32
      %dma_wait3A_1117 = tpu.memref_slice %arg6[%dma_wait3A_1113, %dma_wait3A_1115, %dma_wait3A_1116] : memref<4x400x64xf32, #tpu.memory_space<vmem>> -> memref<1x400x64xf32, #tpu.memory_space<vmem>>
      %dma_wait3A_1118 = tpu.memref_squeeze %dma_wait3A_1117 : memref<1x400x64xf32, #tpu.memory_space<vmem>> -> memref<400x64xf32, #tpu.memory_space<vmem>>
      %dma_wait3A_1119 = arith.constant 0 : i32
      %dma_wait3A_1120 = tpu.memref_slice %arg4[%add3A_1112, %dma_wait3A_1119] : memref<3276800x128xf32, #tpu.memory_space<hbm>> -> memref<400x64xf32, #tpu.memory_space<hbm>>
      %dma_wait3A_1121 = tpu.memref_slice %arg9[%dma_wait3A_1114] : memref<4x!tpu.dma_semaphore, #tpu.memory_space<semaphore_mem>> -> memref<1x!tpu.dma_semaphore, #tpu.memory_space<semaphore_mem>>
      %dma_wait3A_1122 = tpu.memref_squeeze %dma_wait3A_1121 : memref<1x!tpu.dma_semaphore, #tpu.memory_space<semaphore_mem>> -> memref<!tpu.dma_semaphore, #tpu.memory_space<semaphore_mem>>
      %dma_wait3A_1123 = arith.constant 0 : i32
      %dma_wait3A_1124 = tpu.memref_slice %arg4[%add3A_1112, %dma_wait3A_1123] : memref<3276800x128xf32, #tpu.memory_space<hbm>> -> memref<400x64xf32, #tpu.memory_space<hbm>>
      %dma_wait3A_1125 = arith.constant 0 : i32
      %dma_wait3A_1126 = arith.constant 0 : i32
      %dma_wait3A_1127 = tpu.memref_slice %arg6[%dma_wait3A_1113, %dma_wait3A_1125, %dma_wait3A_1126] : memref<4x400x64xf32, #tpu.memory_space<vmem>> -> memref<1x400x64xf32, #tpu.memory_space<vmem>>
      %dma_wait3A_1128 = tpu.memref_squeeze %dma_wait3A_1127 : memref<1x400x64xf32, #tpu.memory_space<vmem>> -> memref<400x64xf32, #tpu.memory_space<vmem>>
      tpu.wait_dma2 semaphore(%dma_wait3A_1122 : memref<!tpu.dma_semaphore, #tpu.memory_space<semaphore_mem>>) src(%dma_wait3A_1128 : memref<400x64xf32, #tpu.memory_space<vmem>>) dst(%dma_wait3A_1124 : memref<400x64xf32, #tpu.memory_space<hbm>>)
      %dma_start3A_1129 = arith.constant 0 : i32
      %dma_start3A_1130 = arith.constant 0 : i32
      %dma_start3A_1131 = arith.constant 0 : i32
      %dma_start3A_1132 = arith.constant 0 : i32
      %dma_start3A_1133 = arith.constant 0 : i32
      %dma_start3A_1134 = tpu.memref_slice %arg6[%dma_start3A_1130, %dma_start3A_1132, %dma_start3A_1133] : memref<4x400x64xf32, #tpu.memory_space<vmem>> -> memref<1x400x64xf32, #tpu.memory_space<vmem>>
      %dma_start3A_1135 = tpu.memref_squeeze %dma_start3A_1134 : memref<1x400x64xf32, #tpu.memory_space<vmem>> -> memref<400x64xf32, #tpu.memory_space<vmem>>
      %dma_start3A_1136 = arith.constant 0 : i32
      %dma_start3A_1137 = tpu.memref_slice %arg5[%dma_start3A_1129, %dma_start3A_1136] : memref<4x400xi32, #tpu.memory_space<vmem>> -> memref<1x400xi32, #tpu.memory_space<vmem>>
      %dma_start3A_1138 = tpu.memref_squeeze %dma_start3A_1137 : memref<1x400xi32, #tpu.memory_space<vmem>> -> memref<400xi32, #tpu.memory_space<vmem>>
      %dma_start3A_1139 = arith.constant 0 : i32
      %dma_start3A_1140 = arith.constant 0 : i32
      %dma_start3A_1141 = tpu.memref_slice %arg3[%dma_start3A_1139, %dma_start3A_1140] : memref<1000000x64xf32, #tpu.memory_space<hbm>> -> memref<1000000x64xf32, #tpu.memory_space<hbm>>
      %dma_start3A_1142 = tpu.memref_slice %arg8[%dma_start3A_1131] : memref<4x!tpu.dma_semaphore, #tpu.memory_space<semaphore_mem>> -> memref<1x!tpu.dma_semaphore, #tpu.memory_space<semaphore_mem>>
      %dma_start3A_1143 = tpu.memref_squeeze %dma_start3A_1142 : memref<1x!tpu.dma_semaphore, #tpu.memory_space<semaphore_mem>> -> memref<!tpu.dma_semaphore, #tpu.memory_space<semaphore_mem>>
      tpu.enqueue_indirect_dma source(%dma_start3A_1141 : memref<1000000x64xf32, #tpu.memory_space<hbm>>) target(%dma_start3A_1135 : memref<400x64xf32, #tpu.memory_space<vmem>>) offsets(%dma_start3A_1138 : memref<400xi32, #tpu.memory_space<vmem>>) semaphore(%dma_start3A_1143 : memref<!tpu.dma_semaphore, #tpu.memory_space<semaphore_mem>>)
      %dma_wait3A_1144 = arith.constant 3 : i32
      %dma_wait3A_1145 = arith.constant 3 : i32
      %dma_wait3A_1146 = arith.constant 3 : i32
      %dma_wait3A_1147 = arith.constant 0 : i32
      %dma_wait3A_1148 = arith.constant 0 : i32
      %dma_wait3A_1149 = tpu.memref_slice %arg6[%dma_wait3A_1145, %dma_wait3A_1147, %dma_wait3A_1148] : memref<4x400x64xf32, #tpu.memory_space<vmem>> -> memref<1x400x64xf32, #tpu.memory_space<vmem>>
      %dma_wait3A_1150 = tpu.memref_squeeze %dma_wait3A_1149 : memref<1x400x64xf32, #tpu.memory_space<vmem>> -> memref<400x64xf32, #tpu.memory_space<vmem>>
      %dma_wait3A_1151 = arith.constant 0 : i32
      %dma_wait3A_1152 = tpu.memref_slice %arg5[%dma_wait3A_1144, %dma_wait3A_1151] : memref<4x400xi32, #tpu.memory_space<vmem>> -> memref<1x400xi32, #tpu.memory_space<vmem>>
      %dma_wait3A_1153 = tpu.memref_squeeze %dma_wait3A_1152 : memref<1x400xi32, #tpu.memory_space<vmem>> -> memref<400xi32, #tpu.memory_space<vmem>>
      %dma_wait3A_1154 = arith.constant 0 : i32
      %dma_wait3A_1155 = arith.constant 0 : i32
      %dma_wait3A_1156 = tpu.memref_slice %arg3[%dma_wait3A_1154, %dma_wait3A_1155] : memref<1000000x64xf32, #tpu.memory_space<hbm>> -> memref<1000000x64xf32, #tpu.memory_space<hbm>>
      %dma_wait3A_1157 = tpu.memref_slice %arg8[%dma_wait3A_1146] : memref<4x!tpu.dma_semaphore, #tpu.memory_space<semaphore_mem>> -> memref<1x!tpu.dma_semaphore, #tpu.memory_space<semaphore_mem>>
      %dma_wait3A_1158 = tpu.memref_squeeze %dma_wait3A_1157 : memref<1x!tpu.dma_semaphore, #tpu.memory_space<semaphore_mem>> -> memref<!tpu.dma_semaphore, #tpu.memory_space<semaphore_mem>>
      tpu.wait_indirect_dma semaphore(%dma_wait3A_1158 : memref<!tpu.dma_semaphore, #tpu.memory_space<semaphore_mem>>) src(%dma_wait3A_1156 : memref<1000000x64xf32, #tpu.memory_space<hbm>>) dst(%dma_wait3A_1150 : memref<400x64xf32, #tpu.memory_space<vmem>>)
      %mul3A_1159 = arith.constant 400 : i32
      %mul3A_1160 = arith.muli %add3A_1088, %mul3A_1159 : i32
      %add3A_1161 = arith.addi %mul3A_2, %mul3A_1160 : i32
      %dma_start3A_1162 = arith.constant 3 : i32
      %dma_start3A_1163 = arith.constant 3 : i32
      %dma_start3A_1164 = arith.constant 0 : i32
      %dma_start3A_1165 = arith.constant 0 : i32
      %dma_start3A_1166 = tpu.memref_slice %arg6[%dma_start3A_1162, %dma_start3A_1164, %dma_start3A_1165] : memref<4x400x64xf32, #tpu.memory_space<vmem>> -> memref<1x400x64xf32, #tpu.memory_space<vmem>>
      %dma_start3A_1167 = tpu.memref_squeeze %dma_start3A_1166 : memref<1x400x64xf32, #tpu.memory_space<vmem>> -> memref<400x64xf32, #tpu.memory_space<vmem>>
      %dma_start3A_1168 = arith.constant 0 : i32
      %dma_start3A_1169 = tpu.memref_slice %arg4[%add3A_1161, %dma_start3A_1168] : memref<3276800x128xf32, #tpu.memory_space<hbm>> -> memref<400x64xf32, #tpu.memory_space<hbm>>
      %dma_start3A_1170 = tpu.memref_slice %arg9[%dma_start3A_1163] : memref<4x!tpu.dma_semaphore, #tpu.memory_space<semaphore_mem>> -> memref<1x!tpu.dma_semaphore, #tpu.memory_space<semaphore_mem>>
      %dma_start3A_1171 = tpu.memref_squeeze %dma_start3A_1170 : memref<1x!tpu.dma_semaphore, #tpu.memory_space<semaphore_mem>> -> memref<!tpu.dma_semaphore, #tpu.memory_space<semaphore_mem>>
      %dma_start3A_1172 = arith.constant 0 : i32
      %dma_start3A_1173 = tpu.memref_slice %arg4[%add3A_1161, %dma_start3A_1172] : memref<3276800x128xf32, #tpu.memory_space<hbm>> -> memref<400x64xf32, #tpu.memory_space<hbm>>
      %dma_start3A_1174 = arith.constant 0 : i32
      %dma_start3A_1175 = arith.constant 0 : i32
      %dma_start3A_1176 = tpu.memref_slice %arg6[%dma_start3A_1162, %dma_start3A_1174, %dma_start3A_1175] : memref<4x400x64xf32, #tpu.memory_space<vmem>> -> memref<1x400x64xf32, #tpu.memory_space<vmem>>
      %dma_start3A_1177 = tpu.memref_squeeze %dma_start3A_1176 : memref<1x400x64xf32, #tpu.memory_space<vmem>> -> memref<400x64xf32, #tpu.memory_space<vmem>>
      tpu.enqueue_dma source(%dma_start3A_1177 : memref<400x64xf32, #tpu.memory_space<vmem>>) target(%dma_start3A_1173 : memref<400x64xf32, #tpu.memory_space<hbm>>) target_semaphore(%dma_start3A_1171 : memref<!tpu.dma_semaphore, #tpu.memory_space<semaphore_mem>>)
      %add3A_1178 = arith.constant 2 : i32
      %add3A_1179 = arith.addi %add3A_1088, %add3A_1178 : i32
      %mul3A_1180 = arith.constant 400 : i32
      %mul3A_1181 = arith.muli %add3A_1179, %mul3A_1180 : i32
      %add3A_1182 = arith.addi %mul3A_2, %mul3A_1181 : i32
      %dma_start3A_1183 = arith.constant 1 : i32
      %dma_start3A_1184 = arith.constant 1 : i32
      %dma_start3A_1185 = arith.constant 0 : i32
      %dma_start3A_1186 = tpu.memref_slice %arg5[%dma_start3A_1183, %dma_start3A_1185] : memref<4x400xi32, #tpu.memory_space<vmem>> -> memref<1x400xi32, #tpu.memory_space<vmem>>
      %dma_start3A_1187 = tpu.memref_squeeze %dma_start3A_1186 : memref<1x400xi32, #tpu.memory_space<vmem>> -> memref<400xi32, #tpu.memory_space<vmem>>
      %dma_start3A_1188 = tpu.memref_slice %arg2[%add3A_1182] : memref<3276800xi32, #tpu.memory_space<hbm>> -> memref<400xi32, #tpu.memory_space<hbm>>
      %dma_start3A_1189 = tpu.memref_slice %arg7[%dma_start3A_1184] : memref<4x!tpu.dma_semaphore, #tpu.memory_space<semaphore_mem>> -> memref<1x!tpu.dma_semaphore, #tpu.memory_space<semaphore_mem>>
      %dma_start3A_1190 = tpu.memref_squeeze %dma_start3A_1189 : memref<1x!tpu.dma_semaphore, #tpu.memory_space<semaphore_mem>> -> memref<!tpu.dma_semaphore, #tpu.memory_space<semaphore_mem>>
      %dma_start3A_1191 = arith.constant 0 : i32
      %dma_start3A_1192 = tpu.memref_slice %arg5[%dma_start3A_1183, %dma_start3A_1191] : memref<4x400xi32, #tpu.memory_space<vmem>> -> memref<1x400xi32, #tpu.memory_space<vmem>>
      %dma_start3A_1193 = tpu.memref_squeeze %dma_start3A_1192 : memref<1x400xi32, #tpu.memory_space<vmem>> -> memref<400xi32, #tpu.memory_space<vmem>>
      %dma_start3A_1194 = tpu.memref_slice %arg2[%add3A_1182] : memref<3276800xi32, #tpu.memory_space<hbm>> -> memref<400xi32, #tpu.memory_space<hbm>>
      tpu.enqueue_dma source(%dma_start3A_1194 : memref<400xi32, #tpu.memory_space<hbm>>) target(%dma_start3A_1193 : memref<400xi32, #tpu.memory_space<vmem>>) target_semaphore(%dma_start3A_1190 : memref<!tpu.dma_semaphore, #tpu.memory_space<semaphore_mem>>)
    }
    %scan3A_383 = arith.constant 62 : i32
    %add3A_384 = arith.constant 101200 : i32
    %add3A_385 = arith.addi %mul3A_2, %add3A_384 : i32
    %dma_wait3A_386 = arith.constant 1 : i32
    %dma_wait3A_387 = arith.constant 1 : i32
    %dma_wait3A_388 = arith.constant 0 : i32
    %dma_wait3A_389 = tpu.memref_slice %arg5[%dma_wait3A_386, %dma_wait3A_388] : memref<4x400xi32, #tpu.memory_space<vmem>> -> memref<1x400xi32, #tpu.memory_space<vmem>>
    %dma_wait3A_390 = tpu.memref_squeeze %dma_wait3A_389 : memref<1x400xi32, #tpu.memory_space<vmem>> -> memref<400xi32, #tpu.memory_space<vmem>>
    %dma_wait3A_391 = tpu.memref_slice %arg2[%add3A_385] : memref<3276800xi32, #tpu.memory_space<hbm>> -> memref<400xi32, #tpu.memory_space<hbm>>
    %dma_wait3A_392 = tpu.memref_slice %arg7[%dma_wait3A_387] : memref<4x!tpu.dma_semaphore, #tpu.memory_space<semaphore_mem>> -> memref<1x!tpu.dma_semaphore, #tpu.memory_space<semaphore_mem>>
    %dma_wait3A_393 = tpu.memref_squeeze %dma_wait3A_392 : memref<1x!tpu.dma_semaphore, #tpu.memory_space<semaphore_mem>> -> memref<!tpu.dma_semaphore, #tpu.memory_space<semaphore_mem>>
    %dma_wait3A_394 = arith.constant 0 : i32
    %dma_wait3A_395 = tpu.memref_slice %arg5[%dma_wait3A_386, %dma_wait3A_394] : memref<4x400xi32, #tpu.memory_space<vmem>> -> memref<1x400xi32, #tpu.memory_space<vmem>>
    %dma_wait3A_396 = tpu.memref_squeeze %dma_wait3A_395 : memref<1x400xi32, #tpu.memory_space<vmem>> -> memref<400xi32, #tpu.memory_space<vmem>>
    %dma_wait3A_397 = tpu.memref_slice %arg2[%add3A_385] : memref<3276800xi32, #tpu.memory_space<hbm>> -> memref<400xi32, #tpu.memory_space<hbm>>
    tpu.wait_dma2 semaphore(%dma_wait3A_393 : memref<!tpu.dma_semaphore, #tpu.memory_space<semaphore_mem>>) src(%dma_wait3A_397 : memref<400xi32, #tpu.memory_space<hbm>>) dst(%dma_wait3A_396 : memref<400xi32, #tpu.memory_space<vmem>>)
    %add3A_398 = arith.constant 99600 : i32
    %add3A_399 = arith.addi %mul3A_2, %add3A_398 : i32
    %dma_wait3A_400 = arith.constant 1 : i32
    %dma_wait3A_401 = arith.constant 1 : i32
    %dma_wait3A_402 = arith.constant 0 : i32
    %dma_wait3A_403 = arith.constant 0 : i32
    %dma_wait3A_404 = tpu.memref_slice %arg6[%dma_wait3A_400, %dma_wait3A_402, %dma_wait3A_403] : memref<4x400x64xf32, #tpu.memory_space<vmem>> -> memref<1x400x64xf32, #tpu.memory_space<vmem>>
    %dma_wait3A_405 = tpu.memref_squeeze %dma_wait3A_404 : memref<1x400x64xf32, #tpu.memory_space<vmem>> -> memref<400x64xf32, #tpu.memory_space<vmem>>
    %dma_wait3A_406 = arith.constant 0 : i32
    %dma_wait3A_407 = tpu.memref_slice %arg4[%add3A_399, %dma_wait3A_406] : memref<3276800x128xf32, #tpu.memory_space<hbm>> -> memref<400x64xf32, #tpu.memory_space<hbm>>
    %dma_wait3A_408 = tpu.memref_slice %arg9[%dma_wait3A_401] : memref<4x!tpu.dma_semaphore, #tpu.memory_space<semaphore_mem>> -> memref<1x!tpu.dma_semaphore, #tpu.memory_space<semaphore_mem>>
    %dma_wait3A_409 = tpu.memref_squeeze %dma_wait3A_408 : memref<1x!tpu.dma_semaphore, #tpu.memory_space<semaphore_mem>> -> memref<!tpu.dma_semaphore, #tpu.memory_space<semaphore_mem>>
    %dma_wait3A_410 = arith.constant 0 : i32
    %dma_wait3A_411 = tpu.memref_slice %arg4[%add3A_399, %dma_wait3A_410] : memref<3276800x128xf32, #tpu.memory_space<hbm>> -> memref<400x64xf32, #tpu.memory_space<hbm>>
    %dma_wait3A_412 = arith.constant 0 : i32
    %dma_wait3A_413 = arith.constant 0 : i32
    %dma_wait3A_414 = tpu.memref_slice %arg6[%dma_wait3A_400, %dma_wait3A_412, %dma_wait3A_413] : memref<4x400x64xf32, #tpu.memory_space<vmem>> -> memref<1x400x64xf32, #tpu.memory_space<vmem>>
    %dma_wait3A_415 = tpu.memref_squeeze %dma_wait3A_414 : memref<1x400x64xf32, #tpu.memory_space<vmem>> -> memref<400x64xf32, #tpu.memory_space<vmem>>
    tpu.wait_dma2 semaphore(%dma_wait3A_409 : memref<!tpu.dma_semaphore, #tpu.memory_space<semaphore_mem>>) src(%dma_wait3A_415 : memref<400x64xf32, #tpu.memory_space<vmem>>) dst(%dma_wait3A_411 : memref<400x64xf32, #tpu.memory_space<hbm>>)
    %dma_start3A_416 = arith.constant 1 : i32
    %dma_start3A_417 = arith.constant 1 : i32
    %dma_start3A_418 = arith.constant 1 : i32
    %dma_start3A_419 = arith.constant 0 : i32
    %dma_start3A_420 = arith.constant 0 : i32
    %dma_start3A_421 = tpu.memref_slice %arg6[%dma_start3A_417, %dma_start3A_419, %dma_start3A_420] : memref<4x400x64xf32, #tpu.memory_space<vmem>> -> memref<1x400x64xf32, #tpu.memory_space<vmem>>
    %dma_start3A_422 = tpu.memref_squeeze %dma_start3A_421 : memref<1x400x64xf32, #tpu.memory_space<vmem>> -> memref<400x64xf32, #tpu.memory_space<vmem>>
    %dma_start3A_423 = arith.constant 0 : i32
    %dma_start3A_424 = tpu.memref_slice %arg5[%dma_start3A_416, %dma_start3A_423] : memref<4x400xi32, #tpu.memory_space<vmem>> -> memref<1x400xi32, #tpu.memory_space<vmem>>
    %dma_start3A_425 = tpu.memref_squeeze %dma_start3A_424 : memref<1x400xi32, #tpu.memory_space<vmem>> -> memref<400xi32, #tpu.memory_space<vmem>>
    %dma_start3A_426 = arith.constant 0 : i32
    %dma_start3A_427 = arith.constant 0 : i32
    %dma_start3A_428 = tpu.memref_slice %arg3[%dma_start3A_426, %dma_start3A_427] : memref<1000000x64xf32, #tpu.memory_space<hbm>> -> memref<1000000x64xf32, #tpu.memory_space<hbm>>
    %dma_start3A_429 = tpu.memref_slice %arg8[%dma_start3A_418] : memref<4x!tpu.dma_semaphore, #tpu.memory_space<semaphore_mem>> -> memref<1x!tpu.dma_semaphore, #tpu.memory_space<semaphore_mem>>
    %dma_start3A_430 = tpu.memref_squeeze %dma_start3A_429 : memref<1x!tpu.dma_semaphore, #tpu.memory_space<semaphore_mem>> -> memref<!tpu.dma_semaphore, #tpu.memory_space<semaphore_mem>>
    tpu.enqueue_indirect_dma source(%dma_start3A_428 : memref<1000000x64xf32, #tpu.memory_space<hbm>>) target(%dma_start3A_422 : memref<400x64xf32, #tpu.memory_space<vmem>>) offsets(%dma_start3A_425 : memref<400xi32, #tpu.memory_space<vmem>>) semaphore(%dma_start3A_430 : memref<!tpu.dma_semaphore, #tpu.memory_space<semaphore_mem>>)
    %dma_wait3A_431 = arith.constant 0 : i32
    %dma_wait3A_432 = arith.constant 0 : i32
    %dma_wait3A_433 = arith.constant 0 : i32
    %dma_wait3A_434 = arith.constant 0 : i32
    %dma_wait3A_435 = arith.constant 0 : i32
    %dma_wait3A_436 = tpu.memref_slice %arg6[%dma_wait3A_432, %dma_wait3A_434, %dma_wait3A_435] : memref<4x400x64xf32, #tpu.memory_space<vmem>> -> memref<1x400x64xf32, #tpu.memory_space<vmem>>
    %dma_wait3A_437 = tpu.memref_squeeze %dma_wait3A_436 : memref<1x400x64xf32, #tpu.memory_space<vmem>> -> memref<400x64xf32, #tpu.memory_space<vmem>>
    %dma_wait3A_438 = arith.constant 0 : i32
    %dma_wait3A_439 = tpu.memref_slice %arg5[%dma_wait3A_431, %dma_wait3A_438] : memref<4x400xi32, #tpu.memory_space<vmem>> -> memref<1x400xi32, #tpu.memory_space<vmem>>
    %dma_wait3A_440 = tpu.memref_squeeze %dma_wait3A_439 : memref<1x400xi32, #tpu.memory_space<vmem>> -> memref<400xi32, #tpu.memory_space<vmem>>
    %dma_wait3A_441 = arith.constant 0 : i32
    %dma_wait3A_442 = arith.constant 0 : i32
    %dma_wait3A_443 = tpu.memref_slice %arg3[%dma_wait3A_441, %dma_wait3A_442] : memref<1000000x64xf32, #tpu.memory_space<hbm>> -> memref<1000000x64xf32, #tpu.memory_space<hbm>>
    %dma_wait3A_444 = tpu.memref_slice %arg8[%dma_wait3A_433] : memref<4x!tpu.dma_semaphore, #tpu.memory_space<semaphore_mem>> -> memref<1x!tpu.dma_semaphore, #tpu.memory_space<semaphore_mem>>
    %dma_wait3A_445 = tpu.memref_squeeze %dma_wait3A_444 : memref<1x!tpu.dma_semaphore, #tpu.memory_space<semaphore_mem>> -> memref<!tpu.dma_semaphore, #tpu.memory_space<semaphore_mem>>
    tpu.wait_indirect_dma semaphore(%dma_wait3A_445 : memref<!tpu.dma_semaphore, #tpu.memory_space<semaphore_mem>>) src(%dma_wait3A_443 : memref<1000000x64xf32, #tpu.memory_space<hbm>>) dst(%dma_wait3A_437 : memref<400x64xf32, #tpu.memory_space<vmem>>)
    %add3A_446 = arith.constant 100800 : i32
    %add3A_447 = arith.addi %mul3A_2, %add3A_446 : i32
    %dma_start3A_448 = arith.constant 0 : i32
    %dma_start3A_449 = arith.constant 0 : i32
    %dma_start3A_450 = arith.constant 0 : i32
    %dma_start3A_451 = arith.constant 0 : i32
    %dma_start3A_452 = tpu.memref_slice %arg6[%dma_start3A_448, %dma_start3A_450, %dma_start3A_451] : memref<4x400x64xf32, #tpu.memory_space<vmem>> -> memref<1x400x64xf32, #tpu.memory_space<vmem>>
    %dma_start3A_453 = tpu.memref_squeeze %dma_start3A_452 : memref<1x400x64xf32, #tpu.memory_space<vmem>> -> memref<400x64xf32, #tpu.memory_space<vmem>>
    %dma_start3A_454 = arith.constant 0 : i32
    %dma_start3A_455 = tpu.memref_slice %arg4[%add3A_447, %dma_start3A_454] : memref<3276800x128xf32, #tpu.memory_space<hbm>> -> memref<400x64xf32, #tpu.memory_space<hbm>>
    %dma_start3A_456 = tpu.memref_slice %arg9[%dma_start3A_449] : memref<4x!tpu.dma_semaphore, #tpu.memory_space<semaphore_mem>> -> memref<1x!tpu.dma_semaphore, #tpu.memory_space<semaphore_mem>>
    %dma_start3A_457 = tpu.memref_squeeze %dma_start3A_456 : memref<1x!tpu.dma_semaphore, #tpu.memory_space<semaphore_mem>> -> memref<!tpu.dma_semaphore, #tpu.memory_space<semaphore_mem>>
    %dma_start3A_458 = arith.constant 0 : i32
    %dma_start3A_459 = tpu.memref_slice %arg4[%add3A_447, %dma_start3A_458] : memref<3276800x128xf32, #tpu.memory_space<hbm>> -> memref<400x64xf32, #tpu.memory_space<hbm>>
    %dma_start3A_460 = arith.constant 0 : i32
    %dma_start3A_461 = arith.constant 0 : i32
    %dma_start3A_462 = tpu.memref_slice %arg6[%dma_start3A_448, %dma_start3A_460, %dma_start3A_461] : memref<4x400x64xf32, #tpu.memory_space<vmem>> -> memref<1x400x64xf32, #tpu.memory_space<vmem>>
    %dma_start3A_463 = tpu.memref_squeeze %dma_start3A_462 : memref<1x400x64xf32, #tpu.memory_space<vmem>> -> memref<400x64xf32, #tpu.memory_space<vmem>>
    tpu.enqueue_dma source(%dma_start3A_463 : memref<400x64xf32, #tpu.memory_space<vmem>>) target(%dma_start3A_459 : memref<400x64xf32, #tpu.memory_space<hbm>>) target_semaphore(%dma_start3A_457 : memref<!tpu.dma_semaphore, #tpu.memory_space<semaphore_mem>>)
    %add3A_464 = arith.constant 101600 : i32
    %add3A_465 = arith.addi %mul3A_2, %add3A_464 : i32
    %dma_start3A_466 = arith.constant 2 : i32
    %dma_start3A_467 = arith.constant 2 : i32
    %dma_start3A_468 = arith.constant 0 : i32
    %dma_start3A_469 = tpu.memref_slice %arg5[%dma_start3A_466, %dma_start3A_468] : memref<4x400xi32, #tpu.memory_space<vmem>> -> memref<1x400xi32, #tpu.memory_space<vmem>>
    %dma_start3A_470 = tpu.memref_squeeze %dma_start3A_469 : memref<1x400xi32, #tpu.memory_space<vmem>> -> memref<400xi32, #tpu.memory_space<vmem>>
    %dma_start3A_471 = tpu.memref_slice %arg2[%add3A_465] : memref<3276800xi32, #tpu.memory_space<hbm>> -> memref<400xi32, #tpu.memory_space<hbm>>
    %dma_start3A_472 = tpu.memref_slice %arg7[%dma_start3A_467] : memref<4x!tpu.dma_semaphore, #tpu.memory_space<semaphore_mem>> -> memref<1x!tpu.dma_semaphore, #tpu.memory_space<semaphore_mem>>
    %dma_start3A_473 = tpu.memref_squeeze %dma_start3A_472 : memref<1x!tpu.dma_semaphore, #tpu.memory_space<semaphore_mem>> -> memref<!tpu.dma_semaphore, #tpu.memory_space<semaphore_mem>>
    %dma_start3A_474 = arith.constant 0 : i32
    %dma_start3A_475 = tpu.memref_slice %arg5[%dma_start3A_466, %dma_start3A_474] : memref<4x400xi32, #tpu.memory_space<vmem>> -> memref<1x400xi32, #tpu.memory_space<vmem>>
    %dma_start3A_476 = tpu.memref_squeeze %dma_start3A_475 : memref<1x400xi32, #tpu.memory_space<vmem>> -> memref<400xi32, #tpu.memory_space<vmem>>
    %dma_start3A_477 = tpu.memref_slice %arg2[%add3A_465] : memref<3276800xi32, #tpu.memory_space<hbm>> -> memref<400xi32, #tpu.memory_space<hbm>>
    tpu.enqueue_dma source(%dma_start3A_477 : memref<400xi32, #tpu.memory_space<hbm>>) target(%dma_start3A_476 : memref<400xi32, #tpu.memory_space<vmem>>) target_semaphore(%dma_start3A_473 : memref<!tpu.dma_semaphore, #tpu.memory_space<semaphore_mem>>)
    %add3A_478 = arith.constant 101600 : i32
    %add3A_479 = arith.addi %mul3A_2, %add3A_478 : i32
    %dma_wait3A_480 = arith.constant 2 : i32
    %dma_wait3A_481 = arith.constant 2 : i32
    %dma_wait3A_482 = arith.constant 0 : i32
    %dma_wait3A_483 = tpu.memref_slice %arg5[%dma_wait3A_480, %dma_wait3A_482] : memref<4x400xi32, #tpu.memory_space<vmem>> -> memref<1x400xi32, #tpu.memory_space<vmem>>
    %dma_wait3A_484 = tpu.memref_squeeze %dma_wait3A_483 : memref<1x400xi32, #tpu.memory_space<vmem>> -> memref<400xi32, #tpu.memory_space<vmem>>
    %dma_wait3A_485 = tpu.memref_slice %arg2[%add3A_479] : memref<3276800xi32, #tpu.memory_space<hbm>> -> memref<400xi32, #tpu.memory_space<hbm>>
    %dma_wait3A_486 = tpu.memref_slice %arg7[%dma_wait3A_481] : memref<4x!tpu.dma_semaphore, #tpu.memory_space<semaphore_mem>> -> memref<1x!tpu.dma_semaphore, #tpu.memory_space<semaphore_mem>>
    %dma_wait3A_487 = tpu.memref_squeeze %dma_wait3A_486 : memref<1x!tpu.dma_semaphore, #tpu.memory_space<semaphore_mem>> -> memref<!tpu.dma_semaphore, #tpu.memory_space<semaphore_mem>>
    %dma_wait3A_488 = arith.constant 0 : i32
    %dma_wait3A_489 = tpu.memref_slice %arg5[%dma_wait3A_480, %dma_wait3A_488] : memref<4x400xi32, #tpu.memory_space<vmem>> -> memref<1x400xi32, #tpu.memory_space<vmem>>
    %dma_wait3A_490 = tpu.memref_squeeze %dma_wait3A_489 : memref<1x400xi32, #tpu.memory_space<vmem>> -> memref<400xi32, #tpu.memory_space<vmem>>
    %dma_wait3A_491 = tpu.memref_slice %arg2[%add3A_479] : memref<3276800xi32, #tpu.memory_space<hbm>> -> memref<400xi32, #tpu.memory_space<hbm>>
    tpu.wait_dma2 semaphore(%dma_wait3A_487 : memref<!tpu.dma_semaphore, #tpu.memory_space<semaphore_mem>>) src(%dma_wait3A_491 : memref<400xi32, #tpu.memory_space<hbm>>) dst(%dma_wait3A_490 : memref<400xi32, #tpu.memory_space<vmem>>)
    %add3A_492 = arith.constant 100000 : i32
    %add3A_493 = arith.addi %mul3A_2, %add3A_492 : i32
    %dma_wait3A_494 = arith.constant 2 : i32
    %dma_wait3A_495 = arith.constant 2 : i32
    %dma_wait3A_496 = arith.constant 0 : i32
    %dma_wait3A_497 = arith.constant 0 : i32
    %dma_wait3A_498 = tpu.memref_slice %arg6[%dma_wait3A_494, %dma_wait3A_496, %dma_wait3A_497] : memref<4x400x64xf32, #tpu.memory_space<vmem>> -> memref<1x400x64xf32, #tpu.memory_space<vmem>>
    %dma_wait3A_499 = tpu.memref_squeeze %dma_wait3A_498 : memref<1x400x64xf32, #tpu.memory_space<vmem>> -> memref<400x64xf32, #tpu.memory_space<vmem>>
    %dma_wait3A_500 = arith.constant 0 : i32
    %dma_wait3A_501 = tpu.memref_slice %arg4[%add3A_493, %dma_wait3A_500] : memref<3276800x128xf32, #tpu.memory_space<hbm>> -> memref<400x64xf32, #tpu.memory_space<hbm>>
    %dma_wait3A_502 = tpu.memref_slice %arg9[%dma_wait3A_495] : memref<4x!tpu.dma_semaphore, #tpu.memory_space<semaphore_mem>> -> memref<1x!tpu.dma_semaphore, #tpu.memory_space<semaphore_mem>>
    %dma_wait3A_503 = tpu.memref_squeeze %dma_wait3A_502 : memref<1x!tpu.dma_semaphore, #tpu.memory_space<semaphore_mem>> -> memref<!tpu.dma_semaphore, #tpu.memory_space<semaphore_mem>>
    %dma_wait3A_504 = arith.constant 0 : i32
    %dma_wait3A_505 = tpu.memref_slice %arg4[%add3A_493, %dma_wait3A_504] : memref<3276800x128xf32, #tpu.memory_space<hbm>> -> memref<400x64xf32, #tpu.memory_space<hbm>>
    %dma_wait3A_506 = arith.constant 0 : i32
    %dma_wait3A_507 = arith.constant 0 : i32
    %dma_wait3A_508 = tpu.memref_slice %arg6[%dma_wait3A_494, %dma_wait3A_506, %dma_wait3A_507] : memref<4x400x64xf32, #tpu.memory_space<vmem>> -> memref<1x400x64xf32, #tpu.memory_space<vmem>>
    %dma_wait3A_509 = tpu.memref_squeeze %dma_wait3A_508 : memref<1x400x64xf32, #tpu.memory_space<vmem>> -> memref<400x64xf32, #tpu.memory_space<vmem>>
    tpu.wait_dma2 semaphore(%dma_wait3A_503 : memref<!tpu.dma_semaphore, #tpu.memory_space<semaphore_mem>>) src(%dma_wait3A_509 : memref<400x64xf32, #tpu.memory_space<vmem>>) dst(%dma_wait3A_505 : memref<400x64xf32, #tpu.memory_space<hbm>>)
    %dma_start3A_510 = arith.constant 2 : i32
    %dma_start3A_511 = arith.constant 2 : i32
    %dma_start3A_512 = arith.constant 2 : i32
    %dma_start3A_513 = arith.constant 0 : i32
    %dma_start3A_514 = arith.constant 0 : i32
    %dma_start3A_515 = tpu.memref_slice %arg6[%dma_start3A_511, %dma_start3A_513, %dma_start3A_514] : memref<4x400x64xf32, #tpu.memory_space<vmem>> -> memref<1x400x64xf32, #tpu.memory_space<vmem>>
    %dma_start3A_516 = tpu.memref_squeeze %dma_start3A_515 : memref<1x400x64xf32, #tpu.memory_space<vmem>> -> memref<400x64xf32, #tpu.memory_space<vmem>>
    %dma_start3A_517 = arith.constant 0 : i32
    %dma_start3A_518 = tpu.memref_slice %arg5[%dma_start3A_510, %dma_start3A_517] : memref<4x400xi32, #tpu.memory_space<vmem>> -> memref<1x400xi32, #tpu.memory_space<vmem>>
    %dma_start3A_519 = tpu.memref_squeeze %dma_start3A_518 : memref<1x400xi32, #tpu.memory_space<vmem>> -> memref<400xi32, #tpu.memory_space<vmem>>
    %dma_start3A_520 = arith.constant 0 : i32
    %dma_start3A_521 = arith.constant 0 : i32
    %dma_start3A_522 = tpu.memref_slice %arg3[%dma_start3A_520, %dma_start3A_521] : memref<1000000x64xf32, #tpu.memory_space<hbm>> -> memref<1000000x64xf32, #tpu.memory_space<hbm>>
    %dma_start3A_523 = tpu.memref_slice %arg8[%dma_start3A_512] : memref<4x!tpu.dma_semaphore, #tpu.memory_space<semaphore_mem>> -> memref<1x!tpu.dma_semaphore, #tpu.memory_space<semaphore_mem>>
    %dma_start3A_524 = tpu.memref_squeeze %dma_start3A_523 : memref<1x!tpu.dma_semaphore, #tpu.memory_space<semaphore_mem>> -> memref<!tpu.dma_semaphore, #tpu.memory_space<semaphore_mem>>
    tpu.enqueue_indirect_dma source(%dma_start3A_522 : memref<1000000x64xf32, #tpu.memory_space<hbm>>) target(%dma_start3A_516 : memref<400x64xf32, #tpu.memory_space<vmem>>) offsets(%dma_start3A_519 : memref<400xi32, #tpu.memory_space<vmem>>) semaphore(%dma_start3A_524 : memref<!tpu.dma_semaphore, #tpu.memory_space<semaphore_mem>>)
    %dma_wait3A_525 = arith.constant 1 : i32
    %dma_wait3A_526 = arith.constant 1 : i32
    %dma_wait3A_527 = arith.constant 1 : i32
    %dma_wait3A_528 = arith.constant 0 : i32
    %dma_wait3A_529 = arith.constant 0 : i32
    %dma_wait3A_530 = tpu.memref_slice %arg6[%dma_wait3A_526, %dma_wait3A_528, %dma_wait3A_529] : memref<4x400x64xf32, #tpu.memory_space<vmem>> -> memref<1x400x64xf32, #tpu.memory_space<vmem>>
    %dma_wait3A_531 = tpu.memref_squeeze %dma_wait3A_530 : memref<1x400x64xf32, #tpu.memory_space<vmem>> -> memref<400x64xf32, #tpu.memory_space<vmem>>
    %dma_wait3A_532 = arith.constant 0 : i32
    %dma_wait3A_533 = tpu.memref_slice %arg5[%dma_wait3A_525, %dma_wait3A_532] : memref<4x400xi32, #tpu.memory_space<vmem>> -> memref<1x400xi32, #tpu.memory_space<vmem>>
    %dma_wait3A_534 = tpu.memref_squeeze %dma_wait3A_533 : memref<1x400xi32, #tpu.memory_space<vmem>> -> memref<400xi32, #tpu.memory_space<vmem>>
    %dma_wait3A_535 = arith.constant 0 : i32
    %dma_wait3A_536 = arith.constant 0 : i32
    %dma_wait3A_537 = tpu.memref_slice %arg3[%dma_wait3A_535, %dma_wait3A_536] : memref<1000000x64xf32, #tpu.memory_space<hbm>> -> memref<1000000x64xf32, #tpu.memory_space<hbm>>
    %dma_wait3A_538 = tpu.memref_slice %arg8[%dma_wait3A_527] : memref<4x!tpu.dma_semaphore, #tpu.memory_space<semaphore_mem>> -> memref<1x!tpu.dma_semaphore, #tpu.memory_space<semaphore_mem>>
    %dma_wait3A_539 = tpu.memref_squeeze %dma_wait3A_538 : memref<1x!tpu.dma_semaphore, #tpu.memory_space<semaphore_mem>> -> memref<!tpu.dma_semaphore, #tpu.memory_space<semaphore_mem>>
    tpu.wait_indirect_dma semaphore(%dma_wait3A_539 : memref<!tpu.dma_semaphore, #tpu.memory_space<semaphore_mem>>) src(%dma_wait3A_537 : memref<1000000x64xf32, #tpu.memory_space<hbm>>) dst(%dma_wait3A_531 : memref<400x64xf32, #tpu.memory_space<vmem>>)
    %add3A_540 = arith.constant 101200 : i32
    %add3A_541 = arith.addi %mul3A_2, %add3A_540 : i32
    %dma_start3A_542 = arith.constant 1 : i32
    %dma_start3A_543 = arith.constant 1 : i32
    %dma_start3A_544 = arith.constant 0 : i32
    %dma_start3A_545 = arith.constant 0 : i32
    %dma_start3A_546 = tpu.memref_slice %arg6[%dma_start3A_542, %dma_start3A_544, %dma_start3A_545] : memref<4x400x64xf32, #tpu.memory_space<vmem>> -> memref<1x400x64xf32, #tpu.memory_space<vmem>>
    %dma_start3A_547 = tpu.memref_squeeze %dma_start3A_546 : memref<1x400x64xf32, #tpu.memory_space<vmem>> -> memref<400x64xf32, #tpu.memory_space<vmem>>
    %dma_start3A_548 = arith.constant 0 : i32
    %dma_start3A_549 = tpu.memref_slice %arg4[%add3A_541, %dma_start3A_548] : memref<3276800x128xf32, #tpu.memory_space<hbm>> -> memref<400x64xf32, #tpu.memory_space<hbm>>
    %dma_start3A_550 = tpu.memref_slice %arg9[%dma_start3A_543] : memref<4x!tpu.dma_semaphore, #tpu.memory_space<semaphore_mem>> -> memref<1x!tpu.dma_semaphore, #tpu.memory_space<semaphore_mem>>
    %dma_start3A_551 = tpu.memref_squeeze %dma_start3A_550 : memref<1x!tpu.dma_semaphore, #tpu.memory_space<semaphore_mem>> -> memref<!tpu.dma_semaphore, #tpu.memory_space<semaphore_mem>>
    %dma_start3A_552 = arith.constant 0 : i32
    %dma_start3A_553 = tpu.memref_slice %arg4[%add3A_541, %dma_start3A_552] : memref<3276800x128xf32, #tpu.memory_space<hbm>> -> memref<400x64xf32, #tpu.memory_space<hbm>>
    %dma_start3A_554 = arith.constant 0 : i32
    %dma_start3A_555 = arith.constant 0 : i32
    %dma_start3A_556 = tpu.memref_slice %arg6[%dma_start3A_542, %dma_start3A_554, %dma_start3A_555] : memref<4x400x64xf32, #tpu.memory_space<vmem>> -> memref<1x400x64xf32, #tpu.memory_space<vmem>>
    %dma_start3A_557 = tpu.memref_squeeze %dma_start3A_556 : memref<1x400x64xf32, #tpu.memory_space<vmem>> -> memref<400x64xf32, #tpu.memory_space<vmem>>
    tpu.enqueue_dma source(%dma_start3A_557 : memref<400x64xf32, #tpu.memory_space<vmem>>) target(%dma_start3A_553 : memref<400x64xf32, #tpu.memory_space<hbm>>) target_semaphore(%dma_start3A_551 : memref<!tpu.dma_semaphore, #tpu.memory_space<semaphore_mem>>)
    %add3A_558 = arith.constant 102000 : i32
    %add3A_559 = arith.addi %mul3A_2, %add3A_558 : i32
    %dma_start3A_560 = arith.constant 3 : i32
    %dma_start3A_561 = arith.constant 3 : i32
    %dma_start3A_562 = arith.constant 0 : i32
    %dma_start3A_563 = tpu.memref_slice %arg5[%dma_start3A_560, %dma_start3A_562] : memref<4x400xi32, #tpu.memory_space<vmem>> -> memref<1x400xi32, #tpu.memory_space<vmem>>
    %dma_start3A_564 = tpu.memref_squeeze %dma_start3A_563 : memref<1x400xi32, #tpu.memory_space<vmem>> -> memref<400xi32, #tpu.memory_space<vmem>>
    %dma_start3A_565 = tpu.memref_slice %arg2[%add3A_559] : memref<3276800xi32, #tpu.memory_space<hbm>> -> memref<400xi32, #tpu.memory_space<hbm>>
    %dma_start3A_566 = tpu.memref_slice %arg7[%dma_start3A_561] : memref<4x!tpu.dma_semaphore, #tpu.memory_space<semaphore_mem>> -> memref<1x!tpu.dma_semaphore, #tpu.memory_space<semaphore_mem>>
    %dma_start3A_567 = tpu.memref_squeeze %dma_start3A_566 : memref<1x!tpu.dma_semaphore, #tpu.memory_space<semaphore_mem>> -> memref<!tpu.dma_semaphore, #tpu.memory_space<semaphore_mem>>
    %dma_start3A_568 = arith.constant 0 : i32
    %dma_start3A_569 = tpu.memref_slice %arg5[%dma_start3A_560, %dma_start3A_568] : memref<4x400xi32, #tpu.memory_space<vmem>> -> memref<1x400xi32, #tpu.memory_space<vmem>>
    %dma_start3A_570 = tpu.memref_squeeze %dma_start3A_569 : memref<1x400xi32, #tpu.memory_space<vmem>> -> memref<400xi32, #tpu.memory_space<vmem>>
    %dma_start3A_571 = tpu.memref_slice %arg2[%add3A_559] : memref<3276800xi32, #tpu.memory_space<hbm>> -> memref<400xi32, #tpu.memory_space<hbm>>
    tpu.enqueue_dma source(%dma_start3A_571 : memref<400xi32, #tpu.memory_space<hbm>>) target(%dma_start3A_570 : memref<400xi32, #tpu.memory_space<vmem>>) target_semaphore(%dma_start3A_567 : memref<!tpu.dma_semaphore, #tpu.memory_space<semaphore_mem>>)
    %add3A_572 = arith.constant 102000 : i32
    %add3A_573 = arith.addi %mul3A_2, %add3A_572 : i32
    %dma_wait3A_574 = arith.constant 3 : i32
    %dma_wait3A_575 = arith.constant 3 : i32
    %dma_wait3A_576 = arith.constant 0 : i32
    %dma_wait3A_577 = tpu.memref_slice %arg5[%dma_wait3A_574, %dma_wait3A_576] : memref<4x400xi32, #tpu.memory_space<vmem>> -> memref<1x400xi32, #tpu.memory_space<vmem>>
    %dma_wait3A_578 = tpu.memref_squeeze %dma_wait3A_577 : memref<1x400xi32, #tpu.memory_space<vmem>> -> memref<400xi32, #tpu.memory_space<vmem>>
    %dma_wait3A_579 = tpu.memref_slice %arg2[%add3A_573] : memref<3276800xi32, #tpu.memory_space<hbm>> -> memref<400xi32, #tpu.memory_space<hbm>>
    %dma_wait3A_580 = tpu.memref_slice %arg7[%dma_wait3A_575] : memref<4x!tpu.dma_semaphore, #tpu.memory_space<semaphore_mem>> -> memref<1x!tpu.dma_semaphore, #tpu.memory_space<semaphore_mem>>
    %dma_wait3A_581 = tpu.memref_squeeze %dma_wait3A_580 : memref<1x!tpu.dma_semaphore, #tpu.memory_space<semaphore_mem>> -> memref<!tpu.dma_semaphore, #tpu.memory_space<semaphore_mem>>
    %dma_wait3A_582 = arith.constant 0 : i32
    %dma_wait3A_583 = tpu.memref_slice %arg5[%dma_wait3A_574, %dma_wait3A_582] : memref<4x400xi32, #tpu.memory_space<vmem>> -> memref<1x400xi32, #tpu.memory_space<vmem>>
    %dma_wait3A_584 = tpu.memref_squeeze %dma_wait3A_583 : memref<1x400xi32, #tpu.memory_space<vmem>> -> memref<400xi32, #tpu.memory_space<vmem>>
    %dma_wait3A_585 = tpu.memref_slice %arg2[%add3A_573] : memref<3276800xi32, #tpu.memory_space<hbm>> -> memref<400xi32, #tpu.memory_space<hbm>>
    tpu.wait_dma2 semaphore(%dma_wait3A_581 : memref<!tpu.dma_semaphore, #tpu.memory_space<semaphore_mem>>) src(%dma_wait3A_585 : memref<400xi32, #tpu.memory_space<hbm>>) dst(%dma_wait3A_584 : memref<400xi32, #tpu.memory_space<vmem>>)
    %add3A_586 = arith.constant 100400 : i32
    %add3A_587 = arith.addi %mul3A_2, %add3A_586 : i32
    %dma_wait3A_588 = arith.constant 3 : i32
    %dma_wait3A_589 = arith.constant 3 : i32
    %dma_wait3A_590 = arith.constant 0 : i32
    %dma_wait3A_591 = arith.constant 0 : i32
    %dma_wait3A_592 = tpu.memref_slice %arg6[%dma_wait3A_588, %dma_wait3A_590, %dma_wait3A_591] : memref<4x400x64xf32, #tpu.memory_space<vmem>> -> memref<1x400x64xf32, #tpu.memory_space<vmem>>
    %dma_wait3A_593 = tpu.memref_squeeze %dma_wait3A_592 : memref<1x400x64xf32, #tpu.memory_space<vmem>> -> memref<400x64xf32, #tpu.memory_space<vmem>>
    %dma_wait3A_594 = arith.constant 0 : i32
    %dma_wait3A_595 = tpu.memref_slice %arg4[%add3A_587, %dma_wait3A_594] : memref<3276800x128xf32, #tpu.memory_space<hbm>> -> memref<400x64xf32, #tpu.memory_space<hbm>>
    %dma_wait3A_596 = tpu.memref_slice %arg9[%dma_wait3A_589] : memref<4x!tpu.dma_semaphore, #tpu.memory_space<semaphore_mem>> -> memref<1x!tpu.dma_semaphore, #tpu.memory_space<semaphore_mem>>
    %dma_wait3A_597 = tpu.memref_squeeze %dma_wait3A_596 : memref<1x!tpu.dma_semaphore, #tpu.memory_space<semaphore_mem>> -> memref<!tpu.dma_semaphore, #tpu.memory_space<semaphore_mem>>
    %dma_wait3A_598 = arith.constant 0 : i32
    %dma_wait3A_599 = tpu.memref_slice %arg4[%add3A_587, %dma_wait3A_598] : memref<3276800x128xf32, #tpu.memory_space<hbm>> -> memref<400x64xf32, #tpu.memory_space<hbm>>
    %dma_wait3A_600 = arith.constant 0 : i32
    %dma_wait3A_601 = arith.constant 0 : i32
    %dma_wait3A_602 = tpu.memref_slice %arg6[%dma_wait3A_588, %dma_wait3A_600, %dma_wait3A_601] : memref<4x400x64xf32, #tpu.memory_space<vmem>> -> memref<1x400x64xf32, #tpu.memory_space<vmem>>
    %dma_wait3A_603 = tpu.memref_squeeze %dma_wait3A_602 : memref<1x400x64xf32, #tpu.memory_space<vmem>> -> memref<400x64xf32, #tpu.memory_space<vmem>>
    tpu.wait_dma2 semaphore(%dma_wait3A_597 : memref<!tpu.dma_semaphore, #tpu.memory_space<semaphore_mem>>) src(%dma_wait3A_603 : memref<400x64xf32, #tpu.memory_space<vmem>>) dst(%dma_wait3A_599 : memref<400x64xf32, #tpu.memory_space<hbm>>)
    %dma_start3A_604 = arith.constant 3 : i32
    %dma_start3A_605 = arith.constant 3 : i32
    %dma_start3A_606 = arith.constant 3 : i32
    %dma_start3A_607 = arith.constant 0 : i32
    %dma_start3A_608 = arith.constant 0 : i32
    %dma_start3A_609 = tpu.memref_slice %arg6[%dma_start3A_605, %dma_start3A_607, %dma_start3A_608] : memref<4x400x64xf32, #tpu.memory_space<vmem>> -> memref<1x400x64xf32, #tpu.memory_space<vmem>>
    %dma_start3A_610 = tpu.memref_squeeze %dma_start3A_609 : memref<1x400x64xf32, #tpu.memory_space<vmem>> -> memref<400x64xf32, #tpu.memory_space<vmem>>
    %dma_start3A_611 = arith.constant 0 : i32
    %dma_start3A_612 = tpu.memref_slice %arg5[%dma_start3A_604, %dma_start3A_611] : memref<4x400xi32, #tpu.memory_space<vmem>> -> memref<1x400xi32, #tpu.memory_space<vmem>>
    %dma_start3A_613 = tpu.memref_squeeze %dma_start3A_612 : memref<1x400xi32, #tpu.memory_space<vmem>> -> memref<400xi32, #tpu.memory_space<vmem>>
    %dma_start3A_614 = arith.constant 0 : i32
    %dma_start3A_615 = arith.constant 0 : i32
    %dma_start3A_616 = tpu.memref_slice %arg3[%dma_start3A_614, %dma_start3A_615] : memref<1000000x64xf32, #tpu.memory_space<hbm>> -> memref<1000000x64xf32, #tpu.memory_space<hbm>>
    %dma_start3A_617 = tpu.memref_slice %arg8[%dma_start3A_606] : memref<4x!tpu.dma_semaphore, #tpu.memory_space<semaphore_mem>> -> memref<1x!tpu.dma_semaphore, #tpu.memory_space<semaphore_mem>>
    %dma_start3A_618 = tpu.memref_squeeze %dma_start3A_617 : memref<1x!tpu.dma_semaphore, #tpu.memory_space<semaphore_mem>> -> memref<!tpu.dma_semaphore, #tpu.memory_space<semaphore_mem>>
    tpu.enqueue_indirect_dma source(%dma_start3A_616 : memref<1000000x64xf32, #tpu.memory_space<hbm>>) target(%dma_start3A_610 : memref<400x64xf32, #tpu.memory_space<vmem>>) offsets(%dma_start3A_613 : memref<400xi32, #tpu.memory_space<vmem>>) semaphore(%dma_start3A_618 : memref<!tpu.dma_semaphore, #tpu.memory_space<semaphore_mem>>)
    %dma_wait3A_619 = arith.constant 2 : i32
    %dma_wait3A_620 = arith.constant 2 : i32
    %dma_wait3A_621 = arith.constant 2 : i32
    %dma_wait3A_622 = arith.constant 0 : i32
    %dma_wait3A_623 = arith.constant 0 : i32
    %dma_wait3A_624 = tpu.memref_slice %arg6[%dma_wait3A_620, %dma_wait3A_622, %dma_wait3A_623] : memref<4x400x64xf32, #tpu.memory_space<vmem>> -> memref<1x400x64xf32, #tpu.memory_space<vmem>>
    %dma_wait3A_625 = tpu.memref_squeeze %dma_wait3A_624 : memref<1x400x64xf32, #tpu.memory_space<vmem>> -> memref<400x64xf32, #tpu.memory_space<vmem>>
    %dma_wait3A_626 = arith.constant 0 : i32
    %dma_wait3A_627 = tpu.memref_slice %arg5[%dma_wait3A_619, %dma_wait3A_626] : memref<4x400xi32, #tpu.memory_space<vmem>> -> memref<1x400xi32, #tpu.memory_space<vmem>>
    %dma_wait3A_628 = tpu.memref_squeeze %dma_wait3A_627 : memref<1x400xi32, #tpu.memory_space<vmem>> -> memref<400xi32, #tpu.memory_space<vmem>>
    %dma_wait3A_629 = arith.constant 0 : i32
    %dma_wait3A_630 = arith.constant 0 : i32
    %dma_wait3A_631 = tpu.memref_slice %arg3[%dma_wait3A_629, %dma_wait3A_630] : memref<1000000x64xf32, #tpu.memory_space<hbm>> -> memref<1000000x64xf32, #tpu.memory_space<hbm>>
    %dma_wait3A_632 = tpu.memref_slice %arg8[%dma_wait3A_621] : memref<4x!tpu.dma_semaphore, #tpu.memory_space<semaphore_mem>> -> memref<1x!tpu.dma_semaphore, #tpu.memory_space<semaphore_mem>>
    %dma_wait3A_633 = tpu.memref_squeeze %dma_wait3A_632 : memref<1x!tpu.dma_semaphore, #tpu.memory_space<semaphore_mem>> -> memref<!tpu.dma_semaphore, #tpu.memory_space<semaphore_mem>>
    tpu.wait_indirect_dma semaphore(%dma_wait3A_633 : memref<!tpu.dma_semaphore, #tpu.memory_space<semaphore_mem>>) src(%dma_wait3A_631 : memref<1000000x64xf32, #tpu.memory_space<hbm>>) dst(%dma_wait3A_625 : memref<400x64xf32, #tpu.memory_space<vmem>>)
    %add3A_634 = arith.constant 101600 : i32
    %add3A_635 = arith.addi %mul3A_2, %add3A_634 : i32
    %dma_start3A_636 = arith.constant 2 : i32
    %dma_start3A_637 = arith.constant 2 : i32
    %dma_start3A_638 = arith.constant 0 : i32
    %dma_start3A_639 = arith.constant 0 : i32
    %dma_start3A_640 = tpu.memref_slice %arg6[%dma_start3A_636, %dma_start3A_638, %dma_start3A_639] : memref<4x400x64xf32, #tpu.memory_space<vmem>> -> memref<1x400x64xf32, #tpu.memory_space<vmem>>
    %dma_start3A_641 = tpu.memref_squeeze %dma_start3A_640 : memref<1x400x64xf32, #tpu.memory_space<vmem>> -> memref<400x64xf32, #tpu.memory_space<vmem>>
    %dma_start3A_642 = arith.constant 0 : i32
    %dma_start3A_643 = tpu.memref_slice %arg4[%add3A_635, %dma_start3A_642] : memref<3276800x128xf32, #tpu.memory_space<hbm>> -> memref<400x64xf32, #tpu.memory_space<hbm>>
    %dma_start3A_644 = tpu.memref_slice %arg9[%dma_start3A_637] : memref<4x!tpu.dma_semaphore, #tpu.memory_space<semaphore_mem>> -> memref<1x!tpu.dma_semaphore, #tpu.memory_space<semaphore_mem>>
    %dma_start3A_645 = tpu.memref_squeeze %dma_start3A_644 : memref<1x!tpu.dma_semaphore, #tpu.memory_space<semaphore_mem>> -> memref<!tpu.dma_semaphore, #tpu.memory_space<semaphore_mem>>
    %dma_start3A_646 = arith.constant 0 : i32
    %dma_start3A_647 = tpu.memref_slice %arg4[%add3A_635, %dma_start3A_646] : memref<3276800x128xf32, #tpu.memory_space<hbm>> -> memref<400x64xf32, #tpu.memory_space<hbm>>
    %dma_start3A_648 = arith.constant 0 : i32
    %dma_start3A_649 = arith.constant 0 : i32
    %dma_start3A_650 = tpu.memref_slice %arg6[%dma_start3A_636, %dma_start3A_648, %dma_start3A_649] : memref<4x400x64xf32, #tpu.memory_space<vmem>> -> memref<1x400x64xf32, #tpu.memory_space<vmem>>
    %dma_start3A_651 = tpu.memref_squeeze %dma_start3A_650 : memref<1x400x64xf32, #tpu.memory_space<vmem>> -> memref<400x64xf32, #tpu.memory_space<vmem>>
    tpu.enqueue_dma source(%dma_start3A_651 : memref<400x64xf32, #tpu.memory_space<vmem>>) target(%dma_start3A_647 : memref<400x64xf32, #tpu.memory_space<hbm>>) target_semaphore(%dma_start3A_645 : memref<!tpu.dma_semaphore, #tpu.memory_space<semaphore_mem>>)
    %dma_wait3A_652 = arith.constant 3 : i32
    %dma_wait3A_653 = arith.constant 3 : i32
    %dma_wait3A_654 = arith.constant 3 : i32
    %dma_wait3A_655 = arith.constant 0 : i32
    %dma_wait3A_656 = arith.constant 0 : i32
    %dma_wait3A_657 = tpu.memref_slice %arg6[%dma_wait3A_653, %dma_wait3A_655, %dma_wait3A_656] : memref<4x400x64xf32, #tpu.memory_space<vmem>> -> memref<1x400x64xf32, #tpu.memory_space<vmem>>
    %dma_wait3A_658 = tpu.memref_squeeze %dma_wait3A_657 : memref<1x400x64xf32, #tpu.memory_space<vmem>> -> memref<400x64xf32, #tpu.memory_space<vmem>>
    %dma_wait3A_659 = arith.constant 0 : i32
    %dma_wait3A_660 = tpu.memref_slice %arg5[%dma_wait3A_652, %dma_wait3A_659] : memref<4x400xi32, #tpu.memory_space<vmem>> -> memref<1x400xi32, #tpu.memory_space<vmem>>
    %dma_wait3A_661 = tpu.memref_squeeze %dma_wait3A_660 : memref<1x400xi32, #tpu.memory_space<vmem>> -> memref<400xi32, #tpu.memory_space<vmem>>
    %dma_wait3A_662 = arith.constant 0 : i32
    %dma_wait3A_663 = arith.constant 0 : i32
    %dma_wait3A_664 = tpu.memref_slice %arg3[%dma_wait3A_662, %dma_wait3A_663] : memref<1000000x64xf32, #tpu.memory_space<hbm>> -> memref<1000000x64xf32, #tpu.memory_space<hbm>>
    %dma_wait3A_665 = tpu.memref_slice %arg8[%dma_wait3A_654] : memref<4x!tpu.dma_semaphore, #tpu.memory_space<semaphore_mem>> -> memref<1x!tpu.dma_semaphore, #tpu.memory_space<semaphore_mem>>
    %dma_wait3A_666 = tpu.memref_squeeze %dma_wait3A_665 : memref<1x!tpu.dma_semaphore, #tpu.memory_space<semaphore_mem>> -> memref<!tpu.dma_semaphore, #tpu.memory_space<semaphore_mem>>
    tpu.wait_indirect_dma semaphore(%dma_wait3A_666 : memref<!tpu.dma_semaphore, #tpu.memory_space<semaphore_mem>>) src(%dma_wait3A_664 : memref<1000000x64xf32, #tpu.memory_space<hbm>>) dst(%dma_wait3A_658 : memref<400x64xf32, #tpu.memory_space<vmem>>)
    %add3A_667 = arith.constant 102000 : i32
    %add3A_668 = arith.addi %mul3A_2, %add3A_667 : i32
    %dma_start3A_669 = arith.constant 3 : i32
    %dma_start3A_670 = arith.constant 3 : i32
    %dma_start3A_671 = arith.constant 0 : i32
    %dma_start3A_672 = arith.constant 0 : i32
    %dma_start3A_673 = tpu.memref_slice %arg6[%dma_start3A_669, %dma_start3A_671, %dma_start3A_672] : memref<4x400x64xf32, #tpu.memory_space<vmem>> -> memref<1x400x64xf32, #tpu.memory_space<vmem>>
    %dma_start3A_674 = tpu.memref_squeeze %dma_start3A_673 : memref<1x400x64xf32, #tpu.memory_space<vmem>> -> memref<400x64xf32, #tpu.memory_space<vmem>>
    %dma_start3A_675 = arith.constant 0 : i32
    %dma_start3A_676 = tpu.memref_slice %arg4[%add3A_668, %dma_start3A_675] : memref<3276800x128xf32, #tpu.memory_space<hbm>> -> memref<400x64xf32, #tpu.memory_space<hbm>>
    %dma_start3A_677 = tpu.memref_slice %arg9[%dma_start3A_670] : memref<4x!tpu.dma_semaphore, #tpu.memory_space<semaphore_mem>> -> memref<1x!tpu.dma_semaphore, #tpu.memory_space<semaphore_mem>>
    %dma_start3A_678 = tpu.memref_squeeze %dma_start3A_677 : memref<1x!tpu.dma_semaphore, #tpu.memory_space<semaphore_mem>> -> memref<!tpu.dma_semaphore, #tpu.memory_space<semaphore_mem>>
    %dma_start3A_679 = arith.constant 0 : i32
    %dma_start3A_680 = tpu.memref_slice %arg4[%add3A_668, %dma_start3A_679] : memref<3276800x128xf32, #tpu.memory_space<hbm>> -> memref<400x64xf32, #tpu.memory_space<hbm>>
    %dma_start3A_681 = arith.constant 0 : i32
    %dma_start3A_682 = arith.constant 0 : i32
    %dma_start3A_683 = tpu.memref_slice %arg6[%dma_start3A_669, %dma_start3A_681, %dma_start3A_682] : memref<4x400x64xf32, #tpu.memory_space<vmem>> -> memref<1x400x64xf32, #tpu.memory_space<vmem>>
    %dma_start3A_684 = tpu.memref_squeeze %dma_start3A_683 : memref<1x400x64xf32, #tpu.memory_space<vmem>> -> memref<400x64xf32, #tpu.memory_space<vmem>>
    tpu.enqueue_dma source(%dma_start3A_684 : memref<400x64xf32, #tpu.memory_space<vmem>>) target(%dma_start3A_680 : memref<400x64xf32, #tpu.memory_space<hbm>>) target_semaphore(%dma_start3A_678 : memref<!tpu.dma_semaphore, #tpu.memory_space<semaphore_mem>>)
    %add3A_685 = arith.constant 100800 : i32
    %add3A_686 = arith.addi %mul3A_2, %add3A_685 : i32
    %dma_wait3A_687 = arith.constant 0 : i32
    %dma_wait3A_688 = arith.constant 0 : i32
    %dma_wait3A_689 = arith.constant 0 : i32
    %dma_wait3A_690 = arith.constant 0 : i32
    %dma_wait3A_691 = tpu.memref_slice %arg6[%dma_wait3A_687, %dma_wait3A_689, %dma_wait3A_690] : memref<4x400x64xf32, #tpu.memory_space<vmem>> -> memref<1x400x64xf32, #tpu.memory_space<vmem>>
    %dma_wait3A_692 = tpu.memref_squeeze %dma_wait3A_691 : memref<1x400x64xf32, #tpu.memory_space<vmem>> -> memref<400x64xf32, #tpu.memory_space<vmem>>
    %dma_wait3A_693 = arith.constant 0 : i32
    %dma_wait3A_694 = tpu.memref_slice %arg4[%add3A_686, %dma_wait3A_693] : memref<3276800x128xf32, #tpu.memory_space<hbm>> -> memref<400x64xf32, #tpu.memory_space<hbm>>
    %dma_wait3A_695 = tpu.memref_slice %arg9[%dma_wait3A_688] : memref<4x!tpu.dma_semaphore, #tpu.memory_space<semaphore_mem>> -> memref<1x!tpu.dma_semaphore, #tpu.memory_space<semaphore_mem>>
    %dma_wait3A_696 = tpu.memref_squeeze %dma_wait3A_695 : memref<1x!tpu.dma_semaphore, #tpu.memory_space<semaphore_mem>> -> memref<!tpu.dma_semaphore, #tpu.memory_space<semaphore_mem>>
    %dma_wait3A_697 = arith.constant 0 : i32
    %dma_wait3A_698 = tpu.memref_slice %arg4[%add3A_686, %dma_wait3A_697] : memref<3276800x128xf32, #tpu.memory_space<hbm>> -> memref<400x64xf32, #tpu.memory_space<hbm>>
    %dma_wait3A_699 = arith.constant 0 : i32
    %dma_wait3A_700 = arith.constant 0 : i32
    %dma_wait3A_701 = tpu.memref_slice %arg6[%dma_wait3A_687, %dma_wait3A_699, %dma_wait3A_700] : memref<4x400x64xf32, #tpu.memory_space<vmem>> -> memref<1x400x64xf32, #tpu.memory_space<vmem>>
    %dma_wait3A_702 = tpu.memref_squeeze %dma_wait3A_701 : memref<1x400x64xf32, #tpu.memory_space<vmem>> -> memref<400x64xf32, #tpu.memory_space<vmem>>
    tpu.wait_dma2 semaphore(%dma_wait3A_696 : memref<!tpu.dma_semaphore, #tpu.memory_space<semaphore_mem>>) src(%dma_wait3A_702 : memref<400x64xf32, #tpu.memory_space<vmem>>) dst(%dma_wait3A_698 : memref<400x64xf32, #tpu.memory_space<hbm>>)
    %add3A_703 = arith.constant 101200 : i32
    %add3A_704 = arith.addi %mul3A_2, %add3A_703 : i32
    %dma_wait3A_705 = arith.constant 1 : i32
    %dma_wait3A_706 = arith.constant 1 : i32
    %dma_wait3A_707 = arith.constant 0 : i32
    %dma_wait3A_708 = arith.constant 0 : i32
    %dma_wait3A_709 = tpu.memref_slice %arg6[%dma_wait3A_705, %dma_wait3A_707, %dma_wait3A_708] : memref<4x400x64xf32, #tpu.memory_space<vmem>> -> memref<1x400x64xf32, #tpu.memory_space<vmem>>
    %dma_wait3A_710 = tpu.memref_squeeze %dma_wait3A_709 : memref<1x400x64xf32, #tpu.memory_space<vmem>> -> memref<400x64xf32, #tpu.memory_space<vmem>>
    %dma_wait3A_711 = arith.constant 0 : i32
    %dma_wait3A_712 = tpu.memref_slice %arg4[%add3A_704, %dma_wait3A_711] : memref<3276800x128xf32, #tpu.memory_space<hbm>> -> memref<400x64xf32, #tpu.memory_space<hbm>>
    %dma_wait3A_713 = tpu.memref_slice %arg9[%dma_wait3A_706] : memref<4x!tpu.dma_semaphore, #tpu.memory_space<semaphore_mem>> -> memref<1x!tpu.dma_semaphore, #tpu.memory_space<semaphore_mem>>
    %dma_wait3A_714 = tpu.memref_squeeze %dma_wait3A_713 : memref<1x!tpu.dma_semaphore, #tpu.memory_space<semaphore_mem>> -> memref<!tpu.dma_semaphore, #tpu.memory_space<semaphore_mem>>
    %dma_wait3A_715 = arith.constant 0 : i32
    %dma_wait3A_716 = tpu.memref_slice %arg4[%add3A_704, %dma_wait3A_715] : memref<3276800x128xf32, #tpu.memory_space<hbm>> -> memref<400x64xf32, #tpu.memory_space<hbm>>
    %dma_wait3A_717 = arith.constant 0 : i32
    %dma_wait3A_718 = arith.constant 0 : i32
    %dma_wait3A_719 = tpu.memref_slice %arg6[%dma_wait3A_705, %dma_wait3A_717, %dma_wait3A_718] : memref<4x400x64xf32, #tpu.memory_space<vmem>> -> memref<1x400x64xf32, #tpu.memory_space<vmem>>
    %dma_wait3A_720 = tpu.memref_squeeze %dma_wait3A_719 : memref<1x400x64xf32, #tpu.memory_space<vmem>> -> memref<400x64xf32, #tpu.memory_space<vmem>>
    tpu.wait_dma2 semaphore(%dma_wait3A_714 : memref<!tpu.dma_semaphore, #tpu.memory_space<semaphore_mem>>) src(%dma_wait3A_720 : memref<400x64xf32, #tpu.memory_space<vmem>>) dst(%dma_wait3A_716 : memref<400x64xf32, #tpu.memory_space<hbm>>)
    %add3A_721 = arith.constant 101600 : i32
    %add3A_722 = arith.addi %mul3A_2, %add3A_721 : i32
    %dma_wait3A_723 = arith.constant 2 : i32
    %dma_wait3A_724 = arith.constant 2 : i32
    %dma_wait3A_725 = arith.constant 0 : i32
    %dma_wait3A_726 = arith.constant 0 : i32
    %dma_wait3A_727 = tpu.memref_slice %arg6[%dma_wait3A_723, %dma_wait3A_725, %dma_wait3A_726] : memref<4x400x64xf32, #tpu.memory_space<vmem>> -> memref<1x400x64xf32, #tpu.memory_space<vmem>>
    %dma_wait3A_728 = tpu.memref_squeeze %dma_wait3A_727 : memref<1x400x64xf32, #tpu.memory_space<vmem>> -> memref<400x64xf32, #tpu.memory_space<vmem>>
    %dma_wait3A_729 = arith.constant 0 : i32
    %dma_wait3A_730 = tpu.memref_slice %arg4[%add3A_722, %dma_wait3A_729] : memref<3276800x128xf32, #tpu.memory_space<hbm>> -> memref<400x64xf32, #tpu.memory_space<hbm>>
    %dma_wait3A_731 = tpu.memref_slice %arg9[%dma_wait3A_724] : memref<4x!tpu.dma_semaphore, #tpu.memory_space<semaphore_mem>> -> memref<1x!tpu.dma_semaphore, #tpu.memory_space<semaphore_mem>>
    %dma_wait3A_732 = tpu.memref_squeeze %dma_wait3A_731 : memref<1x!tpu.dma_semaphore, #tpu.memory_space<semaphore_mem>> -> memref<!tpu.dma_semaphore, #tpu.memory_space<semaphore_mem>>
    %dma_wait3A_733 = arith.constant 0 : i32
    %dma_wait3A_734 = tpu.memref_slice %arg4[%add3A_722, %dma_wait3A_733] : memref<3276800x128xf32, #tpu.memory_space<hbm>> -> memref<400x64xf32, #tpu.memory_space<hbm>>
    %dma_wait3A_735 = arith.constant 0 : i32
    %dma_wait3A_736 = arith.constant 0 : i32
    %dma_wait3A_737 = tpu.memref_slice %arg6[%dma_wait3A_723, %dma_wait3A_735, %dma_wait3A_736] : memref<4x400x64xf32, #tpu.memory_space<vmem>> -> memref<1x400x64xf32, #tpu.memory_space<vmem>>
    %dma_wait3A_738 = tpu.memref_squeeze %dma_wait3A_737 : memref<1x400x64xf32, #tpu.memory_space<vmem>> -> memref<400x64xf32, #tpu.memory_space<vmem>>
    tpu.wait_dma2 semaphore(%dma_wait3A_732 : memref<!tpu.dma_semaphore, #tpu.memory_space<semaphore_mem>>) src(%dma_wait3A_738 : memref<400x64xf32, #tpu.memory_space<vmem>>) dst(%dma_wait3A_734 : memref<400x64xf32, #tpu.memory_space<hbm>>)
    %add3A_739 = arith.constant 102000 : i32
    %add3A_740 = arith.addi %mul3A_2, %add3A_739 : i32
    %dma_wait3A_741 = arith.constant 3 : i32
    %dma_wait3A_742 = arith.constant 3 : i32
    %dma_wait3A_743 = arith.constant 0 : i32
    %dma_wait3A_744 = arith.constant 0 : i32
    %dma_wait3A_745 = tpu.memref_slice %arg6[%dma_wait3A_741, %dma_wait3A_743, %dma_wait3A_744] : memref<4x400x64xf32, #tpu.memory_space<vmem>> -> memref<1x400x64xf32, #tpu.memory_space<vmem>>
    %dma_wait3A_746 = tpu.memref_squeeze %dma_wait3A_745 : memref<1x400x64xf32, #tpu.memory_space<vmem>> -> memref<400x64xf32, #tpu.memory_space<vmem>>
    %dma_wait3A_747 = arith.constant 0 : i32
    %dma_wait3A_748 = tpu.memref_slice %arg4[%add3A_740, %dma_wait3A_747] : memref<3276800x128xf32, #tpu.memory_space<hbm>> -> memref<400x64xf32, #tpu.memory_space<hbm>>
    %dma_wait3A_749 = tpu.memref_slice %arg9[%dma_wait3A_742] : memref<4x!tpu.dma_semaphore, #tpu.memory_space<semaphore_mem>> -> memref<1x!tpu.dma_semaphore, #tpu.memory_space<semaphore_mem>>
    %dma_wait3A_750 = tpu.memref_squeeze %dma_wait3A_749 : memref<1x!tpu.dma_semaphore, #tpu.memory_space<semaphore_mem>> -> memref<!tpu.dma_semaphore, #tpu.memory_space<semaphore_mem>>
    %dma_wait3A_751 = arith.constant 0 : i32
    %dma_wait3A_752 = tpu.memref_slice %arg4[%add3A_740, %dma_wait3A_751] : memref<3276800x128xf32, #tpu.memory_space<hbm>> -> memref<400x64xf32, #tpu.memory_space<hbm>>
    %dma_wait3A_753 = arith.constant 0 : i32
    %dma_wait3A_754 = arith.constant 0 : i32
    %dma_wait3A_755 = tpu.memref_slice %arg6[%dma_wait3A_741, %dma_wait3A_753, %dma_wait3A_754] : memref<4x400x64xf32, #tpu.memory_space<vmem>> -> memref<1x400x64xf32, #tpu.memory_space<vmem>>
    %dma_wait3A_756 = tpu.memref_squeeze %dma_wait3A_755 : memref<1x400x64xf32, #tpu.memory_space<vmem>> -> memref<400x64xf32, #tpu.memory_space<vmem>>
    tpu.wait_dma2 semaphore(%dma_wait3A_750 : memref<!tpu.dma_semaphore, #tpu.memory_space<semaphore_mem>>) src(%dma_wait3A_756 : memref<400x64xf32, #tpu.memory_space<vmem>>) dst(%dma_wait3A_752 : memref<400x64xf32, #tpu.memory_space<hbm>>)
    return
  }
}

</mosaic_0001>

<sc_bundles>
// kernel: kernel.3.cloned.1.call-start
scs
__scs_entry_jumppad:
0x0: {  	(pc) =	sbr.rel $0x88, $3  }
0x1: {  	(tag) =	ssettag $0x0;
	lr =	simm.s32 $0x1  }
0x2: {  	[smem:$0x3F9F] =	sst lr;
	_ =	strace $0xD0000000  }
0x3: {  	_ = 	snop  }
0x4: {  	_ = 	snop  }
0x5: {  	_ = 	snop  }
0x6: {  	_ = 	snop  }
0x7: {  	_ = 	snop  }
__scs_overlays_trampoline_lowered:
0x8: {  	[smem:$0x3FAE] =	sst s0  }
0x9: {  	[smem:$0x3FAF] =	sst s1  }
0xa: {  	[smem:$0x3FB0] =	sst s2  }
0xb: {  	[smem:$0x3FB1] =	sst s3  }
0xc: {  	[smem:$0x3FB2] =	sst s4  }
0xd: {  	[smem:$0x3FB3] =	sst s5  }
0xe: {  	[smem:$0x3FB4] =	sst s6  }
0xf: {  	[smem:$0x3FB5] =	sst s7  }
0x10: {  	[smem:$0x3FB6] =	sst s8  }
0x11: {  	[smem:$0x3FB7] =	sst s9;
	s0 =	simm.s32 @!p0 $0x0  }
0x12: {  	s1 =	sld [smem:$0x3F9D];
	s0 =	simm.s32 @p0 $0x1  }
0x13: {  	[smem:$0x3FB8] =	sst s0;
	s0 =	simm.s32 @!p1 $0x0  }
0x14: {  	s2 =	sld [smem:$0x3F9C];
	s0 =	simm.s32 @p1 $0x1  }
0x15: {  	[smem:$0x3FB9] =	sst s0;
	s0 =	simm.s32 @!p2 $0x0  }
0x16: {  	s3 =	sld [smem:$0x3FDB];
	s0 =	simm.s32 @p2 $0x1  }
0x17: {  	s4 =	simm.s32 $0x1BF5;
	[smem:$0x3FBB] =	sst s0  }
0x18: {  	s0 =	sld [smem:$0x3F9E];
	_ =	swait.ge [sflag:s4], $0x0  }
0x19: {  	s7 =	sld [smem:$0x3F9F]  }
0x1a: {  	s8 =	sadd.s32 $0xFFFFE003, lr  }
0x1b: {  	s9 =	sadd.s32 $0xFFFFFEF7, lr;
	s5 =	simm.s32 $0xFFFFFFFF;
	p2 =	slt.u32 s8, $0xFFFFF086  }
0x1c: {  	p1 =	slt.u32 s9, $0xF7A;
	s5 =	simm.s32 @!p2 $0x0  }
0x1d: {  	s5 =	simm.s32 @p1 $0x1;
	p0 =	seq.s32 s7, s2  }
0x1e: {  	s7 =	smul.u32 @!p0 $0xF7A, s2;
	p2 =	seq.s32 @!p0 s5, $0x0  }
0x1f: {  	s9 =	smul.u32 $0xF7A, s1;
	s8 =	simm.s32 @!p0 $0x1BF5;
	p2 =	por !p2, p0  }
0x20: {  	[sflag:s8] =	ssyncset.s32 @!p0 $0xFFFFF086;
	s6 =	sadd.s32 @!p0 s3, s7;
	s7 =	simm.s32 @!p0 $0x108  }
0x21: {  	s3 =	sadd.s32 s3, s9;
	s6 =	sadd.s32 @!p0 $0x88, s6;
	s7 =	simm.s32 @p2 $0x1082  }
0x22: {  	[simem:s7], [sflag:s8] =	dma.local @!p0 [hbm:s6], $0xF7A  }
0x23: {  	s9 =	sor.u32 $0xD0000000, s2;
	s6 =	simm.s32 $0x108;
	_ =	swait.ge @!p0 [sflag:s8], $0x0  }
0x24: {  	s3 =	sadd.s32 $0x88, s3;
	s6 =	simm.s32 @!p1 $0x1082;
	[sflag:s4] =	ssyncset.s32 $0xFFFFF086  }
0x25: {  	[simem:s6], [sflag:s4] =	dma.local [hbm:s3], $0xF7A  }
0x26: {  	[smem:$0x3F9F] =	sst s1;
	(tag) =	ssettag s2;
	_ =	strace s9  }
0x27: {  	s1 =	sld [smem:$0x3FAF]  }
0x28: {  	s2 =	sld [smem:$0x3FB0]  }
0x29: {  	s4 =	sld [smem:$0x3FB2]  }
0x2a: {  	p0 =	seq.s32 s5, $0x0;
	s5 =	sld [smem:$0x3FB3]  }
0x2b: {  	s6 =	sld [smem:$0x3FB4]  }
0x2c: {  	s7 =	sld [smem:$0x3FB5]  }
0x2d: {  	s3 =	simm.s32 $0x108;
	s8 =	sld [smem:$0x3FB6]  }
0x2e: {  	s3 =	simm.s32 @!p0 $0x1082;
	s9 =	sld [smem:$0x3FB7]  }
0x2f: {  	lr =	sadd.s32 s0, s3;
	s0 =	sld [smem:$0x3FAE]  }
0x30: {  	s3 =	sld [smem:$0x3FB1]  }
0x31: {  	[smem:$0x3FBA] =	sst s10  }
0x32: {  	s10 =	sld [smem:$0x3FB8];
	_ =	sdelay $0x3  }
0x33: {  	p0 =	seq.s32 s10, $0x1;
	s10 =	sld [smem:$0x3FBA];
	_ =	sdelay $0x3  }
0x34: {  	[smem:$0x3FBA] =	sst s10  }
0x35: {  	s10 =	sld [smem:$0x3FB9];
	_ =	sdelay $0x3  }
0x36: {  	p1 =	seq.s32 s10, $0x1;
	s10 =	sld [smem:$0x3FBA];
	_ =	sdelay $0x3  }
0x37: {  	[smem:$0x3FBA] =	sst s10  }
0x38: {  	s10 =	sld [smem:$0x3FBB]  }
0x39: {  	_ = 	snop;
	(pc) =	sbr.ind lr, $3  }
0x3a: {  	_ = 	snop  }
0x3b: {  	_ = 	snop  }
0x3c: {  	p2 =	seq.s32 s10, $0x1;
	s10 =	sld [smem:$0x3FBA]  }
0x3d: {  	_ =	shalt  }
0x3e: {  	_ =	shalt  }
0x3f: {  	_ =	shalt  }
0x40: {  	_ =	shalt  }
0x41: {  	_ =	shalt  }
0x42: {  	_ =	shalt  }
0x43: {  	_ =	shalt  }
0x44: {  	_ =	shalt  }
0x45: {  	_ =	shalt  }
0x46: {  	_ =	shalt  }
0x47: {  	_ =	shalt  }
0x48: {  	_ =	shalt  }
0x49: {  	_ =	shalt  }
0x4a: {  	_ =	shalt  }
0x4b: {  	_ =	shalt  }
0x4c: {  	_ =	shalt  }
0x4d: {  	_ =	shalt  }
0x4e: {  	_ =	shalt  }
0x4f: {  	_ =	shalt  }
0x50: {  	_ =	shalt  }
0x51: {  	_ =	shalt  }
0x52: {  	_ =	shalt  }
0x53: {  	_ =	shalt  }
0x54: {  	_ =	shalt  }
0x55: {  	_ =	shalt  }
0x56: {  	_ =	shalt  }
0x57: {  	_ =	shalt  }
0x58: {  	_ =	shalt  }
0x59: {  	_ =	shalt  }
0x5a: {  	_ =	shalt  }
0x5b: {  	_ =	shalt  }
0x5c: {  	_ =	shalt  }
0x5d: {  	_ =	shalt  }
0x5e: {  	_ =	shalt  }
0x5f: {  	_ =	shalt  }
0x60: {  	_ =	shalt  }
0x61: {  	_ =	shalt  }
0x62: {  	_ =	shalt  }
0x63: {  	_ =	shalt  }
0x64: {  	_ =	shalt  }
0x65: {  	_ =	shalt  }
0x66: {  	_ =	shalt  }
0x67: {  	_ =	shalt  }
0x68: {  	_ =	shalt  }
0x69: {  	_ =	shalt  }
0x6a: {  	_ =	shalt  }
0x6b: {  	_ =	shalt  }
0x6c: {  	_ =	shalt  }
0x6d: {  	_ =	shalt  }
0x6e: {  	_ =	shalt  }
0x6f: {  	_ =	shalt  }
0x70: {  	_ =	shalt  }
0x71: {  	_ =	shalt  }
0x72: {  	_ =	shalt  }
0x73: {  	_ =	shalt  }
0x74: {  	_ =	shalt  }
0x75: {  	_ =	shalt  }
0x76: {  	_ =	shalt  }
0x77: {  	_ =	shalt  }
0x78: {  	_ =	shalt  }
0x79: {  	_ =	shalt  }
0x7a: {  	_ =	shalt  }
0x7b: {  	_ =	shalt  }
0x7c: {  	_ =	shalt  }
0x7d: {  	_ =	shalt  }
0x7e: {  	_ =	shalt  }
0x7f: {  	_ =	shalt  }
0x80: {  	_ =	shalt  }
0x81: {  	_ =	shalt  }
0x82: {  	_ =	shalt  }
0x83: {  	_ =	shalt  }
0x84: {  	_ =	shalt  }
0x85: {  	_ =	shalt  }
0x86: {  	_ =	shalt  }
0x87: {  	_ =	shalt  }
.Lfunc_end0:
.L_simem_size_0:
called_computation.1_lowered:
.L_overlay_start_0:
0x88: {  	s2 =	sld [smem:$0x3FD9]  }
0x89: {  	s3 =	sld [smem:$0x3FFE];
	_ =	sdelay $0x1  }
0x8a: {  	s1 =	srdreg.scid  }
0x8b: {  	s0 =	sand.u32 $0x1, s1  }
0x8c: {  	s16 =	sshll.u32 s0, $0xA;
	s2 =	sadd.s32 s3, s2  }
0x8d: {  	s2 =	sadd.s32 s2, s16  }
0x8e: {  	[smem:$0x3FC6] =	sst s2  }
0x8f: {  	_ = 	snop  }
0x90: {  	(tm) =	ssettm $0x1  }
0x91: {  	s17 =	sld [smem:$0x3FFB];
	_ =	sdelay $0x3  }
0x92: {  	_ =	strace s17  }
0x93: {  	s2 =	sld [smem:$0x3FFC];
	_ =	sdelay $0x3  }
0x94: {  	_ =	strace s2  }
0x95: {  	s2 =	sld [smem:$0x3FFD];
	_ =	sdelay $0x3  }
0x96: {  	_ =	strace s2  }
0x97: {  	_ =	strace $0x8FFFFFFF  }
0x98: {  	s18 =	sld [smem:$0x3FDB];
	_ =	sdelay $0x1  }
0x99: {  	s19 =	simm.s32 $_scs_section_size  }
0x9a: {  	s4 =	simm.s32 $_size__tile_overlayer_lowered;
	s5 =	simm.s32 $_tile_overlayer_lowered  }
0x9b: {  	s22 =	simm.s32 $0x1BFF;
	s21 =	sshll.u32 s5, $0x1;
	s2 =	sadd.s32 s19, s18  }
0x9c: {  	s6 =	simm.s32 $0x0;
	s20 =	sshll.u32 s4, $0x1;
	s4 =	sadd.s32 s21, s2  }
0x9d: {  	[timem:s6], [sflag:s22] =	dma.local [hbm:s4], s20  }
0x9e: {  	_ =	swait.ge [sflag:s22], s20  }
0x9f: {  	s3 =	ssub.s32 $0x0, s20;
	[sflag:s22] =	ssyncset.done $0x0  }
0xa0: {  	[sflag:s22] =	ssyncadd.s32 s3;
	_ =	sdelay $0x1  }
0xa1: {  	s23 =	simm.s32 $0x1B8B  }
0xa2: {  	_ =	swait.ge [sflag:s23], $0x1  }
0xa3: {  	[sflag:s23] =	ssyncset.done $0x0  }
0xa4: {  	s25 =	simm.s32 $0x1B8E;
	s24 =	sld [smem:$0x3FFE];
	[sflag:s23] =	ssyncadd.s32 $0xFFFFFFFF  }
0xa5: {  	s26 =	simm.s32 $execute0_lowered;
	[smem:$0x3FD2] =	sst s25  }
0xa6: {  	s4 =	sshll.u32 s26, $0x1;
	_ =	strace $0x80000046;
	[dreg:$0x1] =	wrdreg $0xFFFFFFFF  }
0xa7: {  	s28 =	simm.s32 $_size_execute0_lowered;
	s2 =	sadd.s32 s2, s4;
	[dreg:$0x0] =	wrdreg $0x0  }
0xa8: {  	s4 =	sshll.u32 s28, $0x1;
	[dreg:$0x2] =	wrdreg s2  }
0xa9: {  	[dreg:$0x3] =	wrdreg s4  }
0xaa: {  	[dreg:$0x4] =	wrdreg $0xC0  }
0xab: {  	_ =	task [dreg:s6], $0x5FFFF  }
0xac: {  	[dreg:$0x1] =	wrdreg $0xFFFFFFFF  }
0xad: {  	[dreg:$0x0] =	wrdreg $0x60  }
0xae: {  	[dreg:$0x2] =	wrdreg s24  }
0xaf: {  	[dreg:$0x3] =	wrdreg $0x9  }
0xb0: {  	_ =	task.clear_ibuf [dreg:s6], $0x4FFFF;
	_ =	strace $0x90000046  }
0xb1: {  	s29 =	simm.s32 $0x9;
	_ =	strace $0x80000048  }
0xb2: {  	_ =	swait.ge [sflag:s29], $0x1  }
0xb3: {  	[sflag:s29] =	ssyncadd.s32 $0xFFFFFFFF  }
0xb4: {  	_ =	strace $0x90000048  }
0xb5: {  	_ =	sfence  }
0xb6: {  	s30 =	sld [smem:$0x0];
	_ =	sdelay $0x2  }
0xb7: {  	s31 =	sshll.u32 s1, $0xD;
	s1 =	sshrl.u32 s1, $0x2  }
0xb8: {  	s3 =	sand.u32 $0x4000, s31;
	s1 =	sadd.s32 s1, s30  }
0xb9: {  	s0 =	sor.u32 s3, s0;
	s1 =	sshll.u32 s1, $0x11  }
0xba: {  	s0 =	sor.u32 s1, s0  }
0xbb: {  	s0 =	sadd.s32 $0x8F2B, s0  }
0xbc: {  	[sflag:s0] =	ssyncadd.remote.s32 $0x1  }
0xbd: {  	_ =	sfence.sel $0xFFFF  }
0xbe: {  	[dreg:$0x0] =	wrdreg $0xFFFFFFFF;
	(pc) =	sbr.abs _section_cstart, $3  }
0xbf: {  	[dreg:$0x1] =	wrdreg $0xFFFFFFFF  }
0xc0: {  	_ =	task.clear_ibuf [dreg:s6], $0x2FFFF;
	_ =	strace $0x9FFFFFFF  }
0xc1: {  	(tm) =	ssettm $0x7FFFFFFF  }
tec
execute0_lowered:
.L_overlay_start_1:
0x0: {  	(tag) =	ssettag $0x1  }
0x1: {  	s0 =	rddreg [dreg:$0x0];
	s2 =	simm.s32 $0x0;
	s1 =	srdreg.scid  }
0x2: {  	s12 =	stileid.u32;
	s28 =	simm.s32 $0x640;
	s29 =	simm.s32 $0x2  }
0x3: {  	s30 =	simm.s32 $0x6A40;
	s31 =	simm.s32 $0x5;
	[smem:$0x7FF] =	sst s2  }
0x4: {  	s1 =	sand.u32 $0x1, s1;
	s3 =	sshll.u32 s12, $0x1;
	s22 =	smul.u32 $0x32000, s12  }
0x5: {  	s4 =	sor.u32 s1, s3;
	s6 =	ssub.s32 $0x2, s1;
	s1 =	smul.u32 $0x19000, s1  }
0x6: {  	s5 =	sadd.s32 $0x800, s0;
	_ =	strace $0x80000047;
	s7 =	smul.u32 $0x19000, s4  }
0x7: {  	s3 =	sadd.s32 $0x64800, s0;
	s8 =	sshrl.u32 s6, $0x1;
	s11 =	smul.u32 $0x190000, s4  }
0x8: {  	s0 =	sadd.s32 $0x805A00, s0;
	s4 =	smul.u32 $0xC80000, s4;
	s6 =	ssub.s32 s6, s8  }
0x9: {  	s1 =	sadd.s32 s1, s22;
	s9 =	sshrl.u32 s7, $0x3;
	s10 =	sor.u32 $0x190, s7  }
0xa: {  	s15 =	sadd.s32 s0, s11;
	s16 =	sor.u32 $0x320, s7;
	s18 =	sor.u32 $0x4B0, s7  }
0xb: {  	s4 =	sshrl.u32 s4, $0x3;
	s25 =	sadd.s32 $0x18CE0, s7;
	s7 =	sadd.s32 $0x18E70, s7  }
0xc: {  	s12 =	sor.u32 $0xE10, s1;
	s13 =	sadd.s32 s5, s9;
	s14 =	sshrl.u32 s10, $0x3  }
0xd: {  	[dreg:$0x8] =	wrdreg s15;
	s17 =	sshrl.u32 s16, $0x3;
	s10 =	sshll.u32 s10, $0x4  }
0xe: {  	s20 =	sshrl.u32 s18, $0x3;
	s21 =	sshll.u32 s18, $0x4;
	s4 =	sadd.s32 s0, s4  }
0xf: {  	s26 =	sshrl.u32 s25, $0x3;
	s8 =	sadd.s32 s5, s14;
	[dreg:$0x6] =	wrdreg s13  }
0x10: {  	s15 =	sor.u32 $0xAF0, s1;
	s9 =	sadd.s32 s5, s17;
	[dreg:$0x7] =	wrdreg s8  }
0x11: {  	s19 =	sadd.s32 s0, s10;
	s23 =	sadd.s32 $0xC8, s13;
	[dreg:$0x9] =	wrdreg s9  }
0x12: {  	s24 =	sadd.s32 $0xFA, s13;
	s11 =	sadd.s32 s5, s26;
	[dreg:$0xa] =	wrdreg s19  }
0x13: {  	s13 =	sshrl.u32 s7, $0x3;
	s14 =	sor.u32 $0xC80, s1;
	[dreg:$0xd] =	wrdreg s23  }
0x14: {  	s17 =	sshrl.u32 s15, $0x3;
	s9 =	sadd.s32 s5, s20;
	[dreg:$0xf] =	wrdreg s24  }
0x15: {  	s8 =	sshll.u32 s16, $0x4;
	[dreg:$0x10] =	wrdreg s11;
	s11 =	sshrl.u32 s14, $0x3  }
0x16: {  	s18 =	sadd.s32 s17, s5;
	s19 =	sor.u32 $0x960, s1;
	s10 =	sadd.s32 s5, s13  }
0x17: {  	s23 =	sshll.u32 s7, $0x4;
	s24 =	smax.u32 s6, $0x1;
	s1 =	sshll.u32 s1, $0x4  }
0x18: {  	s6 =	simm.s32 $0x3;
	s7 =	simm.s32 $0xCE40;
	[dreg:$0xb] =	wrdreg s9  }
0x19: {  	s13 =	simm.s32 $0x9;
	s14 =	simm.s32 $0xA;
	[dreg:$0x11] =	wrdreg s10  }
0x1a: {  	s17 =	simm.s32 $0x0;
	s8 =	sadd.s32 s0, s8;
	[dreg:$0x4] =	wrdreg s18  }
0x1b: {  	s9 =	sshrl.u32 s12, $0x3;
	s16 =	sadd.s32 s11, s5;
	[dreg:$0x16] =	wrdreg s24  }
0x1c: {  	s20 =	sshrl.u32 s19, $0x3;
	s26 =	sshll.u32 s19, $0x4;
	[dreg:$0xc] =	wrdreg s8  }
0x1d: {  	s10 =	simm.s32 $0x4;
	s8 =	sadd.s32 s0, s21;
	[dreg:$0x3] =	wrdreg s16  }
0x1e: {  	s11 =	simm.s32 $0x13240;
	s9 =	sadd.s32 s9, s5;
	[dreg:$0xe] =	wrdreg s8  }
0x1f: {  	s12 =	simm.s32 $0x7;
	s21 =	sadd.s32 $0x189C00, s4;
	[dreg:$0x2] =	wrdreg s9  }
0x20: {  	s5 =	sadd.s32 s20, s5;
	s4 =	sadd.s32 $0x18B500, s4;
	[dreg:$0x12] =	wrdreg s21  }
0x21: {  	s16 =	simm.s32 $0xC;
	s8 =	sshll.u32 s25, $0x4;
	[dreg:$0x13] =	wrdreg s4  }
0x22: {  	s4 =	sadd.s32 s0, s23;
	s25 =	sshll.u32 s15, $0x4;
	[dreg:$0x5] =	wrdreg s5  }
0x23: {  	s5 =	simm.s32 $0x320;
	s9 =	simm.s32 $0x4B0;
	s15 =	simm.s32 $0xB  }
0x24: {  	s22 =	sadd.s32 s0, s8;
	[dreg:$0x15] =	wrdreg s4;
	s4 =	sadd.s32 s25, s0  }
0x25: {  	s25 =	simm.s32 $0x190;
	s8 =	simm.s32 $0x6;
	[dreg:$0x14] =	wrdreg s22  }
0x26: {  	[dreg:$0x17] =	wrdreg s4;
	s4 =	sadd.s32 s26, s0;
	s0 =	sadd.s32 s1, s0  }
0x27: {  	s26 =	simm.s32 $0x1;
	[dreg:$0x18] =	wrdreg s4;
	s1 =	sadd.s32 $0x7D00, s0  }
0x28: {  	s0 =	sadd.s32 $0x6400, s0;
	s4 =	simm.s32 $0x8;
	[dreg:$0x19] =	wrdreg s1  }
0x29: {  	[dreg:$0x1a] =	wrdreg s0;
	s0 =	simm.s32 $0x40;
	s1 =	simm.s32 $0x80  }
.LBB2_1:
0x2a: {  	s18 =	rddreg [dreg:$0x6]  }
0x2b: {  	[tilespmem:s2], [sflag:$0x1] =	stream.linear.gather [hbm4b:s18+s2], $0x190, $0x38;
	[tilespmem:$0x19640] =	vst v63  }
0x2c: {  	s24 =	rddreg [dreg:$0x7]  }
0x2d: {  	[tilespmem:s25], [sflag:$0x2] =	stream.linear.gather [hbm4b:s24+s2], $0x190, $0x38;
	[tilespmem:$0x19640] =	vst v63  }
0x2e: {  	_ =	swait.ge [sflag:s26], $0x190  }
0x2f: {  	[sflag:s26] =	ssyncset.done $0x0  }
0x30: {  	[sflag:s26] =	ssyncadd.s32 $0xFFFFFE70  }
0x31: {  	[tilespmem:s28], [sflag:$0x5] =	stream.indirect.gather [hbm4b:s3+s25], $0x40, s2, s25, $0xb8;
	[tilespmem:$0x19640] =	vst v63  }
0x32: {  	_ =	swait.ge [sflag:s29], $0x190  }
0x33: {  	[sflag:s29] =	ssyncset.done $0x0  }
0x34: {  	[sflag:s29] =	ssyncadd.s32 $0xFFFFFE70  }
0x35: {  	[tilespmem:s30], [sflag:$0x6] =	stream.indirect.gather [hbm4b:s3+s25], $0x40, s25, s25, $0xb8;
	[tilespmem:$0x19640] =	vst v63  }
0x36: {  	_ =	swait.ge [sflag:s31], $0x6400  }
0x37: {  	[sflag:s31] =	ssyncset.done $0x0  }
0x38: {  	s19 =	rddreg [dreg:$0x8];
	[sflag:s31] =	ssyncadd.s32 $0xFFFF9C00  }
0x39: {  	[hbm4b:s19+s0] =	stream.strided.scatter [tilespmem:s28], [sflag:$0x9], $0x6400, s1, s0, $0x38;
	[tilespmem:$0x19640] =	vst v63  }
0x3a: {  	s20 =	rddreg [dreg:$0x9]  }
0x3b: {  	[tilespmem:s5], [sflag:$0x3] =	stream.linear.gather [hbm4b:s20+s2], $0x190, $0x38;
	[tilespmem:$0x19640] =	vst v63  }
0x3c: {  	_ =	swait.ge [sflag:s6], $0x190  }
0x3d: {  	[sflag:s6] =	ssyncset.done $0x0  }
0x3e: {  	[sflag:s6] =	ssyncadd.s32 $0xFFFFFE70  }
0x3f: {  	[tilespmem:s7], [sflag:$0x7] =	stream.indirect.gather [hbm4b:s3+s25], $0x40, s5, s25, $0xb8;
	[tilespmem:$0x19640] =	vst v63  }
0x40: {  	_ =	swait.ge [sflag:s8], $0x6400  }
0x41: {  	[sflag:s8] =	ssyncset.done $0x0  }
0x42: {  	s21 =	rddreg [dreg:$0xa];
	[sflag:s8] =	ssyncadd.s32 $0xFFFF9C00  }
0x43: {  	[hbm4b:s21+s0] =	stream.strided.scatter [tilespmem:s30], [sflag:$0xA], $0x6400, s1, s0, $0x38;
	[tilespmem:$0x19640] =	vst v63  }
0x44: {  	s22 =	rddreg [dreg:$0xb]  }
0x45: {  	[tilespmem:s9], [sflag:$0x4] =	stream.linear.gather [hbm4b:s22+s2], $0x190, $0x38;
	[tilespmem:$0x19640] =	vst v63  }
0x46: {  	_ =	swait.ge [sflag:s10], $0x190  }
0x47: {  	[sflag:s10] =	ssyncset.done $0x0  }
0x48: {  	[sflag:s10] =	ssyncadd.s32 $0xFFFFFE70  }
0x49: {  	[tilespmem:s11], [sflag:$0x8] =	stream.indirect.gather [hbm4b:s3+s25], $0x40, s9, s25, $0xb8;
	[tilespmem:$0x19640] =	vst v63  }
0x4a: {  	_ =	swait.ge [sflag:s12], $0x6400  }
0x4b: {  	[sflag:s12] =	ssyncset.done $0x0  }
0x4c: {  	s23 =	rddreg [dreg:$0xc];
	[sflag:s12] =	ssyncadd.s32 $0xFFFF9C00  }
0x4d: {  	[hbm4b:s23+s0] =	stream.strided.scatter [tilespmem:s7], [sflag:$0xB], $0x6400, s1, s0, $0x38;
	[tilespmem:$0x19640] =	vst v63  }
0x4e: {  	s24 =	rddreg [dreg:$0xd]  }
0x4f: {  	[tilespmem:s2], [sflag:$0x1] =	stream.linear.gather [hbm4b:s24+s2], $0x190, $0x38;
	[tilespmem:$0x19640] =	vst v63  }
0x50: {  	_ =	swait.ge [sflag:s26], $0x190  }
0x51: {  	[sflag:s26] =	ssyncset.done $0x0  }
0x52: {  	[sflag:s26] =	ssyncadd.s32 $0xFFFFFE70  }
0x53: {  	_ =	swait.ge [sflag:s13], $0x6400  }
0x54: {  	[sflag:s13] =	ssyncset.done $0x0  }
0x55: {  	[sflag:s13] =	ssyncadd.s32 $0xFFFF9C00  }
0x56: {  	[tilespmem:s28], [sflag:$0x5] =	stream.indirect.gather [hbm4b:s3+s25], $0x40, s2, s25, $0xb8;
	[tilespmem:$0x19640] =	vst v63  }
0x57: {  	_ =	swait.ge [sflag:s4], $0x6400  }
0x58: {  	[sflag:s4] =	ssyncset.done $0x0  }
0x59: {  	s19 =	rddreg [dreg:$0xe];
	[sflag:s4] =	ssyncadd.s32 $0xFFFF9C00  }
0x5a: {  	[hbm4b:s19+s0] =	stream.strided.scatter [tilespmem:s11], [sflag:$0xC], $0x6400, s1, s0, $0x38;
	[tilespmem:$0x19640] =	vst v63  }
0x5b: {  	s20 =	rddreg [dreg:$0xf]  }
0x5c: {  	[tilespmem:s25], [sflag:$0x2] =	stream.linear.gather [hbm4b:s20+s2], $0x190, $0x38;
	[tilespmem:$0x19640] =	vst v63  }
0x5d: {  	_ =	swait.ge [sflag:s29], $0x190  }
0x5e: {  	[sflag:s29] =	ssyncset.done $0x0  }
0x5f: {  	[sflag:s29] =	ssyncadd.s32 $0xFFFFFE70  }
0x60: {  	_ =	swait.ge [sflag:s14], $0x6400  }
0x61: {  	[sflag:s14] =	ssyncset.done $0x0  }
0x62: {  	[sflag:s14] =	ssyncadd.s32 $0xFFFF9C00  }
0x63: {  	[tilespmem:s30], [sflag:$0x6] =	stream.indirect.gather [hbm4b:s3+s25], $0x40, s25, s25, $0xb8;
	[tilespmem:$0x19640] =	vst v63  }
0x64: {  	_ =	swait.ge [sflag:s31], $0x6400  }
0x65: {  	[sflag:s31] =	ssyncset.done $0x0;
	s21 =	rddreg [dreg:$0x5]  }
0x66: {  	s20 =	rddreg [dreg:$0x1a];
	[sflag:s31] =	ssyncadd.s32 $0xFFFF9C00  }
0x67: {  	[hbm4b:s20+s0] =	stream.strided.scatter [tilespmem:s28], [sflag:$0x9], $0x6400, s1, s0, $0x38;
	[tilespmem:$0x19640] =	vst v63  }
0x68: {  	s18 =	sadd.s32 $0x0, s21  }
0x69: {  	[tilespmem:s5], [sflag:$0x3] =	stream.linear.gather [hbm4b:s18+s2], $0x190, $0x38;
	[tilespmem:$0x19640] =	vst v63  }
0x6a: {  	_ =	swait.ge [sflag:s6], $0x190  }
0x6b: {  	[sflag:s6] =	ssyncset.done $0x0  }
0x6c: {  	[sflag:s6] =	ssyncadd.s32 $0xFFFFFE70  }
0x6d: {  	_ =	swait.ge [sflag:s15], $0x6400  }
0x6e: {  	[sflag:s15] =	ssyncset.done $0x0  }
0x6f: {  	[sflag:s15] =	ssyncadd.s32 $0xFFFF9C00  }
0x70: {  	[tilespmem:s7], [sflag:$0x7] =	stream.indirect.gather [hbm4b:s3+s25], $0x40, s5, s25, $0xb8;
	[tilespmem:$0x19640] =	vst v63  }
0x71: {  	_ =	swait.ge [sflag:s8], $0x6400  }
0x72: {  	[sflag:s8] =	ssyncset.done $0x0;
	s22 =	rddreg [dreg:$0x4]  }
0x73: {  	s19 =	rddreg [dreg:$0x19];
	[sflag:s8] =	ssyncadd.s32 $0xFFFF9C00  }
0x74: {  	[hbm4b:s19+s0] =	stream.strided.scatter [tilespmem:s30], [sflag:$0xA], $0x6400, s1, s0, $0x38;
	[tilespmem:$0x19640] =	vst v63  }
0x75: {  	s18 =	sadd.s32 $0x0, s22  }
0x76: {  	[tilespmem:s9], [sflag:$0x4] =	stream.linear.gather [hbm4b:s18+s2], $0x190, $0x38;
	[tilespmem:$0x19640] =	vst v63  }
0x77: {  	_ =	swait.ge [sflag:s10], $0x190  }
0x78: {  	[sflag:s10] =	ssyncset.done $0x0  }
0x79: {  	[sflag:s10] =	ssyncadd.s32 $0xFFFFFE70  }
0x7a: {  	_ =	swait.ge [sflag:s16], $0x6400  }
0x7b: {  	[sflag:s16] =	ssyncset.done $0x0  }
0x7c: {  	[sflag:s16] =	ssyncadd.s32 $0xFFFF9C00  }
0x7d: {  	[tilespmem:s11], [sflag:$0x8] =	stream.indirect.gather [hbm4b:s3+s25], $0x40, s9, s25, $0xb8;
	[tilespmem:$0x19640] =	vst v63  }
0x7e: {  	_ =	swait.ge [sflag:s12], $0x6400  }
0x7f: {  	[sflag:s12] =	ssyncset.done $0x0;
	s23 =	rddreg [dreg:$0x3]  }
0x80: {  	s24 =	rddreg [dreg:$0x18];
	[sflag:s12] =	ssyncadd.s32 $0xFFFF9C00  }
0x81: {  	[hbm4b:s24+s0] =	stream.strided.scatter [tilespmem:s7], [sflag:$0xB], $0x6400, s1, s0, $0x38;
	[tilespmem:$0x19640] =	vst v63  }
0x82: {  	s18 =	sadd.s32 $0x0, s23  }
0x83: {  	[tilespmem:s2], [sflag:$0x1] =	stream.linear.gather [hbm4b:s18+s2], $0x190, $0x38;
	[tilespmem:$0x19640] =	vst v63  }
0x84: {  	_ =	swait.ge [sflag:s26], $0x190  }
0x85: {  	[sflag:s26] =	ssyncset.done $0x0  }
0x86: {  	[sflag:s26] =	ssyncadd.s32 $0xFFFFFE70  }
0x87: {  	_ =	swait.ge [sflag:s13], $0x6400  }
0x88: {  	[sflag:s13] =	ssyncset.done $0x0  }
0x89: {  	[sflag:s13] =	ssyncadd.s32 $0xFFFF9C00  }
0x8a: {  	[tilespmem:s28], [sflag:$0x5] =	stream.indirect.gather [hbm4b:s3+s25], $0x40, s2, s25, $0xb8;
	[tilespmem:$0x19640] =	vst v63  }
0x8b: {  	s20 =	sadd.s32 $0x6400, s20;
	_ =	swait.ge [sflag:s4], $0x6400  }
0x8c: {  	s19 =	sadd.s32 $0x6400, s19;
	[sflag:s4] =	ssyncset.done $0x0;
	s21 =	rddreg [dreg:$0x2]  }
0x8d: {  	s18 =	simm.s32 $0xC8;
	s22 =	rddreg [dreg:$0x17];
	[sflag:s4] =	ssyncadd.s32 $0xFFFF9C00  }
0x8e: {  	[hbm4b:s22+s0] =	stream.strided.scatter [tilespmem:s11], [sflag:$0xC], $0x6400, s1, s0, $0x38;
	[tilespmem:$0x19640] =	vst v63  }
0x8f: {  	s23 =	sadd.s32 $0x0, s21;
	s21 =	sadd.s32 $0x6400, s22;
	s22 =	sadd.s32 $0x6400, s24  }
.LBB2_2:
0x90: {  	[tilespmem:s25], [sflag:$0x2] =	stream.linear.gather [hbm4b:s23+s2], $0x190, $0x38;
	[tilespmem:$0x19640] =	vst v63  }
0x91: {  	_ =	swait.ge [sflag:s29], $0x190  }
0x92: {  	[sflag:s29] =	ssyncset.done $0x0  }
0x93: {  	[sflag:s29] =	ssyncadd.s32 $0xFFFFFE70  }
0x94: {  	_ =	swait.ge [sflag:s14], $0x6400  }
0x95: {  	[sflag:s14] =	ssyncset.done $0x0  }
0x96: {  	[sflag:s14] =	ssyncadd.s32 $0xFFFF9C00  }
0x97: {  	[tilespmem:s30], [sflag:$0x6] =	stream.indirect.gather [hbm4b:s3+s25], $0x40, s25, s25, $0xb8;
	[tilespmem:$0x19640] =	vst v63  }
0x98: {  	_ =	swait.ge [sflag:s31], $0x6400  }
0x99: {  	[sflag:s31] =	ssyncset.done $0x0  }
0x9a: {  	s23 =	smov.u32 s18;
	s24 =	rddreg [dreg:$0x5];
	[sflag:s31] =	ssyncadd.s32 $0xFFFF9C00  }
0x9b: {  	[hbm4b:s20+s0] =	stream.strided.scatter [tilespmem:s28], [sflag:$0x9], $0x6400, s1, s0, $0x38;
	[tilespmem:$0x19640] =	vst v63  }
0x9c: {  	s24 =	sadd.s32 s23, s24  }
0x9d: {  	[tilespmem:s5], [sflag:$0x3] =	stream.linear.gather [hbm4b:s24+s2], $0x190, $0x38;
	[tilespmem:$0x19640] =	vst v63  }
0x9e: {  	_ =	swait.ge [sflag:s6], $0x190  }
0x9f: {  	[sflag:s6] =	ssyncset.done $0x0  }
0xa0: {  	[sflag:s6] =	ssyncadd.s32 $0xFFFFFE70  }
0xa1: {  	_ =	swait.ge [sflag:s15], $0x6400  }
0xa2: {  	[sflag:s15] =	ssyncset.done $0x0  }
0xa3: {  	[sflag:s15] =	ssyncadd.s32 $0xFFFF9C00  }
0xa4: {  	[tilespmem:s7], [sflag:$0x7] =	stream.indirect.gather [hbm4b:s3+s25], $0x40, s5, s25, $0xb8;
	[tilespmem:$0x19640] =	vst v63  }
0xa5: {  	_ =	swait.ge [sflag:s8], $0x6400  }
0xa6: {  	[sflag:s8] =	ssyncset.done $0x0  }
0xa7: {  	s24 =	rddreg [dreg:$0x4];
	[sflag:s8] =	ssyncadd.s32 $0xFFFF9C00  }
0xa8: {  	[hbm4b:s19+s0] =	stream.strided.scatter [tilespmem:s30], [sflag:$0xA], $0x6400, s1, s0, $0x38;
	[tilespmem:$0x19640] =	vst v63  }
0xa9: {  	s24 =	sadd.s32 s23, s24  }
0xaa: {  	[tilespmem:s9], [sflag:$0x4] =	stream.linear.gather [hbm4b:s24+s2], $0x190, $0x38;
	[tilespmem:$0x19640] =	vst v63  }
0xab: {  	_ =	swait.ge [sflag:s10], $0x190  }
0xac: {  	[sflag:s10] =	ssyncset.done $0x0  }
0xad: {  	[sflag:s10] =	ssyncadd.s32 $0xFFFFFE70  }
0xae: {  	_ =	swait.ge [sflag:s16], $0x6400  }
0xaf: {  	[sflag:s16] =	ssyncset.done $0x0  }
0xb0: {  	[sflag:s16] =	ssyncadd.s32 $0xFFFF9C00  }
0xb1: {  	[tilespmem:s11], [sflag:$0x8] =	stream.indirect.gather [hbm4b:s3+s25], $0x40, s9, s25, $0xb8;
	[tilespmem:$0x19640] =	vst v63  }
0xb2: {  	_ =	swait.ge [sflag:s12], $0x6400  }
0xb3: {  	[sflag:s12] =	ssyncset.done $0x0  }
0xb4: {  	s24 =	rddreg [dreg:$0x3];
	[sflag:s12] =	ssyncadd.s32 $0xFFFF9C00  }
0xb5: {  	[hbm4b:s22+s0] =	stream.strided.scatter [tilespmem:s7], [sflag:$0xB], $0x6400, s1, s0, $0x38;
	[tilespmem:$0x19640] =	vst v63  }
0xb6: {  	s24 =	sadd.s32 s23, s24  }
0xb7: {  	[tilespmem:s2], [sflag:$0x1] =	stream.linear.gather [hbm4b:s24+s2], $0x190, $0x38;
	[tilespmem:$0x19640] =	vst v63  }
0xb8: {  	_ =	swait.ge [sflag:s26], $0x190  }
0xb9: {  	[sflag:s26] =	ssyncset.done $0x0  }
0xba: {  	[sflag:s26] =	ssyncadd.s32 $0xFFFFFE70  }
0xbb: {  	_ =	swait.ge [sflag:s13], $0x6400  }
0xbc: {  	[sflag:s13] =	ssyncset.done $0x0  }
0xbd: {  	p0 =	sne.s32 s18, $0x2FA8;
	[sflag:s13] =	ssyncadd.s32 $0xFFFF9C00  }
0xbe: {  	[tilespmem:s28], [sflag:$0x5] =	stream.indirect.gather [hbm4b:s3+s25], $0x40, s2, s25, $0xb8;
	[tilespmem:$0x19640] =	vst v63  }
.Ltmp0:
0xbf: {  	_ =	swait.ge [sflag:s4], $0x6400;
	(pc) =	sbr.rel @p0 .LBB2_2-.Ltmp0, $4  }
0xc0: {  	s18 =	sadd.s32 $0xC8, s18;
	s20 =	sadd.s32 $0x6400, s20;
	[sflag:s4] =	ssyncset.done $0x0  }
0xc1: {  	s19 =	sadd.s32 $0x6400, s19;
	s24 =	rddreg [dreg:$0x2];
	[sflag:s4] =	ssyncadd.s32 $0xFFFF9C00  }
0xc2: {  	[hbm4b:s21+s0] =	stream.strided.scatter [tilespmem:s11], [sflag:$0xC], $0x6400, s1, s0, $0x38;
	[tilespmem:$0x19640] =	vst v63  }
0xc3: {  	s22 =	sadd.s32 $0x6400, s22;
	s23 =	sadd.s32 s23, s24;
	s21 =	sadd.s32 $0x6400, s21  }
0xc4: {  	[tilespmem:s25], [sflag:$0x2] =	stream.linear.gather [hbm4b:s23+s2], $0x190, $0x38;
	[tilespmem:$0x19640] =	vst v63  }
0xc5: {  	_ =	swait.ge [sflag:s29], $0x190  }
0xc6: {  	[sflag:s29] =	ssyncset.done $0x0  }
0xc7: {  	[sflag:s29] =	ssyncadd.s32 $0xFFFFFE70  }
0xc8: {  	_ =	swait.ge [sflag:s14], $0x6400  }
0xc9: {  	[sflag:s14] =	ssyncset.done $0x0  }
0xca: {  	[sflag:s14] =	ssyncadd.s32 $0xFFFF9C00  }
0xcb: {  	[tilespmem:s30], [sflag:$0x6] =	stream.indirect.gather [hbm4b:s3+s25], $0x40, s25, s25, $0xb8;
	[tilespmem:$0x19640] =	vst v63  }
0xcc: {  	_ =	swait.ge [sflag:s31], $0x6400  }
0xcd: {  	[sflag:s31] =	ssyncset.done $0x0  }
0xce: {  	s18 =	rddreg [dreg:$0x12];
	[sflag:s31] =	ssyncadd.s32 $0xFFFF9C00  }
0xcf: {  	[hbm4b:s18+s0] =	stream.strided.scatter [tilespmem:s28], [sflag:$0x9], $0x6400, s1, s0, $0x38;
	[tilespmem:$0x19640] =	vst v63  }
0xd0: {  	s19 =	rddreg [dreg:$0x10]  }
0xd1: {  	[tilespmem:s5], [sflag:$0x3] =	stream.linear.gather [hbm4b:s19+s2], $0x190, $0x38;
	[tilespmem:$0x19640] =	vst v63  }
0xd2: {  	_ =	swait.ge [sflag:s6], $0x190  }
0xd3: {  	[sflag:s6] =	ssyncset.done $0x0  }
0xd4: {  	[sflag:s6] =	ssyncadd.s32 $0xFFFFFE70  }
0xd5: {  	_ =	swait.ge [sflag:s15], $0x6400  }
0xd6: {  	[sflag:s15] =	ssyncset.done $0x0  }
0xd7: {  	[sflag:s15] =	ssyncadd.s32 $0xFFFF9C00  }
0xd8: {  	[tilespmem:s7], [sflag:$0x7] =	stream.indirect.gather [hbm4b:s3+s25], $0x40, s5, s25, $0xb8;
	[tilespmem:$0x19640] =	vst v63  }
0xd9: {  	_ =	swait.ge [sflag:s8], $0x6400  }
0xda: {  	[sflag:s8] =	ssyncset.done $0x0  }
0xdb: {  	s20 =	rddreg [dreg:$0x13];
	[sflag:s8] =	ssyncadd.s32 $0xFFFF9C00  }
0xdc: {  	[hbm4b:s20+s0] =	stream.strided.scatter [tilespmem:s30], [sflag:$0xA], $0x6400, s1, s0, $0x38;
	[tilespmem:$0x19640] =	vst v63  }
0xdd: {  	s21 =	rddreg [dreg:$0x11]  }
0xde: {  	[tilespmem:s9], [sflag:$0x4] =	stream.linear.gather [hbm4b:s21+s2], $0x190, $0x38;
	[tilespmem:$0x19640] =	vst v63  }
0xdf: {  	_ =	swait.ge [sflag:s10], $0x190  }
0xe0: {  	[sflag:s10] =	ssyncset.done $0x0  }
0xe1: {  	[sflag:s10] =	ssyncadd.s32 $0xFFFFFE70  }
0xe2: {  	_ =	swait.ge [sflag:s16], $0x6400  }
0xe3: {  	[sflag:s16] =	ssyncset.done $0x0  }
0xe4: {  	[sflag:s16] =	ssyncadd.s32 $0xFFFF9C00  }
0xe5: {  	[tilespmem:s11], [sflag:$0x8] =	stream.indirect.gather [hbm4b:s3+s25], $0x40, s9, s25, $0xb8;
	[tilespmem:$0x19640] =	vst v63  }
0xe6: {  	_ =	swait.ge [sflag:s12], $0x6400  }
0xe7: {  	[sflag:s12] =	ssyncset.done $0x0  }
0xe8: {  	s22 =	rddreg [dreg:$0x14];
	[sflag:s12] =	ssyncadd.s32 $0xFFFF9C00  }
0xe9: {  	[hbm4b:s22+s0] =	stream.strided.scatter [tilespmem:s7], [sflag:$0xB], $0x6400, s1, s0, $0x38;
	[tilespmem:$0x19640] =	vst v63  }
0xea: {  	_ =	swait.ge [sflag:s4], $0x6400  }
0xeb: {  	[sflag:s4] =	ssyncset.done $0x0  }
0xec: {  	s23 =	rddreg [dreg:$0x15];
	[sflag:s4] =	ssyncadd.s32 $0xFFFF9C00  }
0xed: {  	[hbm4b:s23+s0] =	stream.strided.scatter [tilespmem:s11], [sflag:$0xC], $0x6400, s1, s0, $0x38;
	[tilespmem:$0x19640] =	vst v63  }
0xee: {  	_ =	swait.ge [sflag:s13], $0x6400  }
0xef: {  	[sflag:s13] =	ssyncset.done $0x0  }
0xf0: {  	[sflag:s13] =	ssyncadd.s32 $0xFFFF9C00  }
0xf1: {  	_ =	swait.ge [sflag:s14], $0x6400  }
0xf2: {  	[sflag:s14] =	ssyncset.done $0x0  }
0xf3: {  	[sflag:s14] =	ssyncadd.s32 $0xFFFF9C00  }
0xf4: {  	_ =	swait.ge [sflag:s15], $0x6400  }
0xf5: {  	[sflag:s15] =	ssyncset.done $0x0  }
0xf6: {  	[sflag:s15] =	ssyncadd.s32 $0xFFFF9C00  }
0xf7: {  	_ =	swait.ge [sflag:s16], $0x6400  }
0xf8: {  	s17 =	sadd.s32 $0x1, s17;
	s24 =	rddreg [dreg:$0x16]  }
0xf9: {  	p0 =	sne.s32 s17, s24  }
.Ltmp1:
0xfa: {  	_ = 	snop;
	(pc) =	sbr.rel @p0 .LBB2_1-.Ltmp1, $3  }
0xfb: {  	_ =	sdelay $0x1  }
0xfc: {  	[sflag:s16] =	ssyncset.done $0x0  }
0xfd: {  	[sflag:s16] =	ssyncadd.s32 $0xFFFF9C00  }
0xfe: {  	_ =	sfence.sel $0x180000  }
0xff: {  	[bflag:$0x0] =	sbarrier.arrive $0xFFFF  }
0x100: {  	_ =	strace $0x90000047  }
0x101: {  	s0 =	stileid.u32;
	[bflag:$0x2] =	sbarrier.arrive $0xFFFF  }
0x102: {  	p0 =	sne.s32 s0, $0x0;
	s0 =	rddreg [dreg:$0x1]  }
0x103: {  	s0 =	sadd.s32 @!p0 $0x100000, s0  }
0x104: {  	[sflag:s0] =	ssyncadd.tile.s32 @!p0 $0x1;
	_ =	shalt  }
.Lfunc_end2:
_tile_overlayer_lowered:
.L_overlay_start_2:
0x105: {  	(tag) =	ssettag $0x2  }
0x106: {  	s0 =	rddreg [dreg:$0x0];
	s2 =	stileid.u32  }
0x107: {  	s1 =	rddreg [dreg:$0x1];
	p0 =	sne.s32 s2, $0x0  }
0x108: {  	s3 =	rddreg [dreg:$0x2];
	[bflag:$0x3] =	sbarrier.arrive $0xFFFF;
	s2 =	simm.s32 @!p0 $0x1C0D  }
0x109: {  	[timem:s3], [sflag:s2] =	dma.local @!p0 [hbm:s0], s1  }
0x10a: {  	s0 =	simm.s32 @!p0 $0xD  }
0x10b: {  	_ =	swait.ge @!p0 [sflag:s0], s1  }
0x10c: {  	s1 =	ssub.s32 @!p0 $0x0, s1;
	[sflag:s0] =	ssyncset.done @!p0 $0x0  }
0x10d: {  	[sflag:s0] =	ssyncadd.s32 @!p0 s1  }
0x10e: {  	[bflag:$0x3] =	sbarrier.arrive $0xFFFF  }
0x10f: {  	_ =	shalt  }

// kernel: sparse-core-data-format-call.cloned.1.call-start
scs
called_computation_lowered:
.L_overlay_start_0:
0x0: {  	s2 =	sld [smem:$0x3FD9]  }
0x1: {  	s3 =	sld [smem:$0x3FFE];
	_ =	sdelay $0x1  }
0x2: {  	s1 =	srdreg.scid  }
0x3: {  	s0 =	sand.u32 $0x1, s1  }
0x4: {  	s18 =	sshll.u32 s0, $0xA;
	s2 =	sadd.s32 s3, s2  }
0x5: {  	s2 =	sadd.s32 s2, s18  }
0x6: {  	[smem:$0x3FC6] =	sst s2  }
0x7: {  	_ = 	snop  }
0x8: {  	s2 =	sld [smem:$0x3FD0];
	(tm) =	ssettm $0x1  }
0x9: {  	s19 =	sld [smem:$0x3FFB];
	_ =	sdelay $0x3  }
0xa: {  	_ =	strace s19  }
0xb: {  	s3 =	sld [smem:$0x3FFC];
	_ =	sdelay $0x3  }
0xc: {  	_ =	strace s3  }
0xd: {  	s3 =	sld [smem:$0x3FFD];
	_ =	sdelay $0x3  }
0xe: {  	_ =	strace s3  }
0xf: {  	_ =	strace $0x8FFFFFFF  }
0x10: {  	s20 =	sld [smem:$0x3FDB];
	_ =	sdelay $0x1  }
0x11: {  	s4 =	simm.s32 $_scs_section_size  }
0x12: {  	s5 =	simm.s32 $_size__tile_overlayer_lowered;
	s6 =	simm.s32 $_tile_overlayer_lowered  }
0x13: {  	s23 =	simm.s32 $0x1BFF;
	s22 =	sshll.u32 s6, $0x1;
	s3 =	sadd.s32 s4, s20  }
0x14: {  	s7 =	simm.s32 $0x0;
	s21 =	sshll.u32 s5, $0x1;
	s5 =	sadd.s32 s22, s3  }
0x15: {  	[timem:s7], [sflag:s23] =	dma.local [hbm:s5], s21  }
0x16: {  	_ =	swait.ge [sflag:s23], s21  }
0x17: {  	s4 =	ssub.s32 $0x0, s21;
	[sflag:s23] =	ssyncset.done $0x0  }
0x18: {  	[sflag:s23] =	ssyncadd.s32 s4;
	_ =	sdelay $0x1  }
0x19: {  	s24 =	simm.s32 $0x1B8B  }
0x1a: {  	_ =	swait.ge [sflag:s24], $0x1  }
0x1b: {  	[sflag:s24] =	ssyncset.done $0x0  }
0x1c: {  	s26 =	simm.s32 $0x1B8E;
	s25 =	sld [smem:$0x3FFE];
	[sflag:s24] =	ssyncadd.s32 $0xFFFFFFFF  }
0x1d: {  	s27 =	simm.s32 $execute0_lowered;
	[smem:$0x3FD2] =	sst s26  }
0x1e: {  	s5 =	sshll.u32 s27, $0x1;
	_ =	strace $0x80000049;
	[dreg:$0x1] =	wrdreg $0xFFFFFFFF  }
0x1f: {  	s28 =	simm.s32 $_size_execute0_lowered;
	s3 =	sadd.s32 s3, s5;
	[dreg:$0x0] =	wrdreg $0x0  }
0x20: {  	s5 =	sshll.u32 s28, $0x1;
	[dreg:$0x2] =	wrdreg s3  }
0x21: {  	[dreg:$0x3] =	wrdreg s5  }
0x22: {  	[dreg:$0x4] =	wrdreg $0xC0  }
0x23: {  	_ =	task [dreg:s7], $0x5FFFF  }
0x24: {  	[dreg:$0x1] =	wrdreg $0xFFFFFFFF  }
0x25: {  	[dreg:$0x0] =	wrdreg $0x60  }
0x26: {  	[dreg:$0x2] =	wrdreg s25  }
0x27: {  	[dreg:$0x3] =	wrdreg s2  }
0x28: {  	[dreg:$0x4] =	wrdreg $0x9  }
0x29: {  	_ =	task.clear_ibuf [dreg:s7], $0x5FFFF;
	_ =	strace $0x90000049  }
0x2a: {  	s29 =	simm.s32 $0x9;
	_ =	strace $0x8000004B  }
0x2b: {  	_ =	swait.ge [sflag:s29], $0x1  }
0x2c: {  	[sflag:s29] =	ssyncadd.s32 $0xFFFFFFFF  }
0x2d: {  	_ =	strace $0x9000004B  }
0x2e: {  	_ =	sfence  }
0x2f: {  	s30 =	sld [smem:$0x0];
	_ =	sdelay $0x2  }
0x30: {  	s31 =	sshll.u32 s1, $0xD;
	s1 =	sshrl.u32 s1, $0x2  }
0x31: {  	s3 =	sand.u32 $0x4000, s31;
	s1 =	sadd.s32 s1, s30  }
0x32: {  	s0 =	sor.u32 s3, s0;
	s1 =	sshll.u32 s1, $0x11  }
0x33: {  	s0 =	sor.u32 s1, s0  }
0x34: {  	s0 =	sadd.s32 $0x8F2B, s0  }
0x35: {  	[sflag:s0] =	ssyncadd.remote.s32 $0x1  }
0x36: {  	_ =	sfence.sel $0xFFFF  }
0x37: {  	[dreg:$0x0] =	wrdreg $0xFFFFFFFF;
	(pc) =	sbr.abs _section_cstart, $3  }
0x38: {  	[dreg:$0x1] =	wrdreg $0xFFFFFFFF  }
0x39: {  	_ =	task.clear_ibuf [dreg:s7], $0x2FFFF;
	_ =	strace $0x9FFFFFFF  }
0x3a: {  	(tm) =	ssettm $0x7FFFFFFF  }
0x3b: {  	_ =	shalt  }
tec
execute0_lowered:
.L_overlay_start_1:
0x0: {  	(tag) =	ssettag $0x1  }
0x1: {  	s0 =	srdreg.scid  }
0x2: {  	s1 =	sshll.u32 s0, $0x4  }
0x3: {  	s0 =	stileid.u32;
	s1 =	sand.u32 $0x10, s1  }
0x4: {  	s1 =	sor.u32 s0, s1  }
0x5: {  	s6 =	rddreg [dreg:$0x0];
	s4 =	simm.s32 $0x1;
	s2 =	sshll.u32 s1, $0x7  }
0x6: {  	s7 =	simm.s32 $0x2;
	s12 =	simm.s32 $0x0;
	s1 =	ssub.s32 $0x4000, s2  }
0x7: {  	s8 =	simm.s32 $0x20000;
	s13 =	simm.s32 $0x0;
	s3 =	sand.u32 $0xF80, s1  }
0x8: {  	s9 =	simm.s32 $0x0;
	s5 =	sshrl.u32 s1, $0xC;
	p0 =	sne.s32 s3, $0x0  }
.Ltmp0:
0x9: {  	s1 =	rddreg [dreg:$0x2];
	s4 =	simm.s32 @!p0 $0x0;
	(pc) =	sbr.rel .LBB1_1-.Ltmp0, $4  }
0xa: {  	s11 =	simm.s32 $0x0;
	s3 =	rddreg [dreg:$0x1];
	s5 =	sadd.s32 s4, s5  }
0xb: {  	_ =	strace $0x8000004A;
	s4 =	simm.s32 $0x1;
	s5 =	smul.u32 $0xC8, s5  }
0xc: {  	s6 =	sadd.s32 $0x805A00, s6;
	s10 =	smov.u32 s2;
	[sflag:s4] =	ssyncpa.u1 $0x0  }
0xd: {  	p0 =	por $0x0, $0x0;
	[sflag:s7] =	ssyncpa.u1 $0x0;
	s7 =	sor.u32 $0x1, s5  }
.LBB1_4:
0xe: {  	s16 =	sshll.u32 s13, $0x3;
	s17 =	sand.u32 $0x78, s13  }
0xf: {  	s30 =	sand.u32 $0x1F800, s13;
	s12 =	sshll.u32 s12, $0x11;
	s16 =	sand.u32 $0x3C00, s16  }
0x10: {  	[tilespmem:s15+$0x810 ss:$0x81] =	vst.msk $0xffff, v2;
	s31 =	sand.u32 $0x7, s13;
	s16 =	sor.u32 s17, s16;
	s17 =	sadd.s32 s3, s30  }
0x11: {  	[tilespmem:s15+$0x1020 ss:$0x81] =	vst.msk $0xffff, v0;
	s13 =	sshll.u32 s31, $0x12;
	s12 =	sadd.s32 s12, s17;
	s16 =	sshrl.u32 s16, $0x3  }
0x12: {  	[tilespmem:s15+$0x0 ss:$0x81] =	vst.msk $0xffff, v1;
	s13 =	sor.u32 $0x400, s13;
	s12 =	sadd.s32 s16, s12  }
0x13: {  	[hbm4b:s12+s13] =	stream.strided.scatter [tilespmem:s14], [sflag:$0x2], $0x2000, s8, s13, $0x20;
	[tilespmem:$0x8080] =	vst v63  }
.LBB1_5:
0x14: {  	s14 =	sadd.s32 $0x1, s9  }
0x15: {  	s12 =	sadd.s32 $0x1000, s10;
	s16 =	smov.u32 s10;
	p2 =	sgt.s32 s14, $0xC7  }
0x16: {  	s16 =	smov.u32 @p2 s12  }
0x17: {  	s14 =	simm.s32 @p2 $0x0;
	p2 =	sgt.s32 s16, $0x3FFF  }
0x18: {  	s16 =	smov.u32 @p2 s2;
	p2 =	sne.s32 s11, s7  }
.Ltmp1:
0x19: {  	p1 =	slt.u32 s11, $0x2;
	(pc) =	sbr.rel @!p2 .LBB1_6-.Ltmp1, $4  }
0x1a: {  	s15 =	simm.s32 @!p1 $0x2  }
0x1b: {  	s13 =	smov.u32 s10;
	p0 =	por !p0, !p0;
	_ =	swait.ge @!p1 [sflag:s15], $0x2000  }
0x1c: {  	s12 =	smov.u32 s9;
	[sflag:s15] =	ssyncset.done @!p1 $0x0;
	s9 =	smov.u32 s14  }
0x1d: {  	s11 =	sadd.s32 $0x1, s11;
	[sflag:s15] =	ssyncadd.s32 @!p1 $0xFFFFE000;
	s10 =	smov.u32 s16  }
.LBB1_1:
0x1e: {  	p1 =	sge.u32 s11, s5  }
0x1f: {  	s14 =	sand.u32 @!p1 $0x1FFFFFF, s9  }
0x20: {  	s15 =	smulhi.u32 @!p1 $0x147AE15, s14;
	_ =	sdelay $0x1  }
0x21: {  	s15 =	smul.u32 @!p1 $0xC8, s15  }
0x22: {  	s16 =	sxor.u32 @!p1 $0xFFFFFFFF, s11;
	s17 =	smul.u32 @!p1 $0xC80, s10  }
0x23: {  	s31 =	sadd.s32 $0xFFFFFFFF, s11;
	s16 =	sshll.u32 @!p1 s16, $0xD;
	s14 =	ssub.s32 @!p1 s14, s15  }
0x24: {  	s15 =	sand.u32 @!p1 $0x2000, s16;
	s16 =	sadd.s32 @!p1 s6, s17;
	s14 =	sshll.u32 @!p1 s14, $0x4  }
0x25: {  	s17 =	simm.s32 @!p1 $0x6400;
	s14 =	sadd.s32 @!p1 s14, s16;
	s16 =	simm.s32 @!p1 $0x40  }
0x26: {  	[tilespmem:s15], [sflag:$0x1] =	stream.strided.gather @!p1 [hbm4b:s14+s16], $0x2000, s17, s16, $0x38;
	[tilespmem:$0x8080] =	vst v63  }
0x27: {  	p1 =	sge.u32 s31, s5  }
.Ltmp2:
0x28: {  	_ = 	snop;
	(pc) =	sbr.rel @p1 .LBB1_5-.Ltmp2, $1  }
0x29: {  	_ =	sdelay $0x3  }
0x2a: {  	s14 =	simm.s32 $0x1  }
0x2b: {  	_ =	swait.ge [sflag:s4], $0x2000;
	s14 =	simm.s32 @!p0 $0x0  }
0x2c: {  	[sflag:s4] =	ssyncset.done $0x0;
	s15 =	sshll.u32 s14, $0xD  }
0x2d: {  	[sflag:s4] =	ssyncadd.s32 $0xFFFFE000;
	s18 =	sor.u32 $0x20, s15  }
0x2e: {  	s14 =	smul.u32 $0x8100, s14;
	v3 =	vld [tilespmem:s18+$0x10]  }
0x2f: {  	s30 =	sand.u32 $0x1, s11;
	v2 =	vld [tilespmem:s18+$0xFFFFFFF0]  }
0x30: {  	s15 =	smul.u32 $0x8100, s30;
	s14 =	sshrl.u32 s14, $0x2;
	v0 =	vld [tilespmem:s18+$0x0]  }
0x31: {  	v1 =	vld [tilespmem:s18+$0xFFFFFFE0];
	s16 =	sor.u32 $0x4000, s14  }
0x32: {  	s31 =	sshrl.u32 s15, $0x2;
	s15 =	sadd.s32 $0x0, s16  }
0x33: {  	s17 =	simm.s32 $0x4;
	s18 =	sadd.s32 $0x40, s18;
	s14 =	sor.u32 $0x4000, s31;
	[tilespmem:s15+$0x1830 ss:$0x81] =	vst.msk $0xffff, v3  }
.LBB1_3:
0x34: {  	v3 =	vld [tilespmem:s18+$0x10];
	p1 =	sne.s32 s17, $0x1FC;
	[tilespmem:s15+$0x810 ss:$0x81] =	vst.msk $0xffff, v2;
	s19 =	smov.u32 s17;
	s17 =	sadd.s32 $0x4, s17  }
.Ltmp3:
0x35: {  	v2 =	vld [tilespmem:s18+$0xFFFFFFF0];
	[tilespmem:s15+$0x1020 ss:$0x81] =	vst.msk $0xffff, v0;
	(pc) =	sbr.rel @p1 .LBB1_3-.Ltmp3, $4  }
0x36: {  	v0 =	vld [tilespmem:s18+$0x0];
	[tilespmem:s15+$0x0 ss:$0x81] =	vst.msk $0xffff, v1  }
0x37: {  	s15 =	sshra.s32 s19, $0x2;
	v1 =	vld [tilespmem:s18+$0xFFFFFFE0]  }
0x38: {  	s15 =	sadd.s32 s15, s16  }
0x39: {  	s18 =	sadd.s32 $0x40, s18;
	[tilespmem:s15+$0x1830 ss:$0x81] =	vst.msk $0xffff, v3  }
.Ltmp4:
0x3a: {  	_ = 	snop;
	(pc) =	sbr.rel .LBB1_4-.Ltmp4, $1  }
0x3b: {  	_ =	sdelay $0x3  }
.LBB1_6:
0x3c: {  	_ =	sfence.sel $0x180000  }
0x3d: {  	s2 =	simm.s32 $0x1;
	[bflag:$0x0] =	sbarrier.arrive $0xFFFF  }
0x3e: {  	s31 =	simm.s32 $0x2;
	[sflag:s2] =	ssyncpa.u1 $0x1  }
0x3f: {  	[sflag:s31] =	ssyncpa.u1 $0x1  }
0x40: {  	p0 =	sne.s32 s0, $0x0;
	_ =	strace $0x9000004A  }
0x41: {  	s0 =	sadd.s32 @!p0 $0x100000, s1;
	[bflag:$0x2] =	sbarrier.arrive $0xFFFF  }
0x42: {  	[sflag:s0] =	ssyncadd.tile.s32 @!p0 $0x1;
	_ =	shalt  }
.Lfunc_end1:
_tile_overlayer_lowered:
.L_overlay_start_2:
0x43: {  	(tag) =	ssettag $0x2  }
0x44: {  	s0 =	rddreg [dreg:$0x0];
	s2 =	stileid.u32  }
0x45: {  	s1 =	rddreg [dreg:$0x1];
	p0 =	sne.s32 s2, $0x0  }
0x46: {  	s3 =	rddreg [dreg:$0x2];
	[bflag:$0x3] =	sbarrier.arrive $0xFFFF;
	s2 =	simm.s32 @!p0 $0x1C01  }
0x47: {  	[timem:s3], [sflag:s2] =	dma.local @!p0 [hbm:s0], s1  }
0x48: {  	s0 =	simm.s32 @!p0 $0x1  }
0x49: {  	_ =	swait.ge @!p0 [sflag:s0], s1  }
0x4a: {  	s1 =	ssub.s32 @!p0 $0x0, s1;
	[sflag:s0] =	ssyncset.done @!p0 $0x0  }
0x4b: {  	[sflag:s0] =	ssyncadd.s32 @!p0 s1  }
0x4c: {  	[bflag:$0x3] =	sbarrier.arrive $0xFFFF  }
0x4d: {  	_ =	shalt  }

</sc_bundles>
